<compile_context>
chip_gen: v7x
topology: tpu7x:2x2x1
jax: 0.10.2.dev20260603
libtpu: 0.0.44.dev20260713+nightly
codegen_flags: <defaults>
</compile_context>

<pallas_src>
import jax
import jax.numpy as jnp
from jax import lax
from jax.experimental import pallas as pl
from jax.experimental.pallas import tpu as pltpu

_B = 8
_N = 1024
_K = 33
_RBLK = 256
_CBLK = 256
_PADC = 1e30


def _twt_body(v_ref, d_ref, wt_ref, wa_ref, ts_ref, tip_ref, coef_ref):
    v = v_ref[...]
    d = d_ref[...]
    dz = d[:, 1:] - d[:, :-1]
    inv_v = 1.0 / v
    inv_mid = 0.5 * (inv_v[:, :-1] + inv_v[:, 1:])
    dtwt = (2.0 * dz) * inv_mid
    k_iota = lax.broadcasted_iota(jnp.int32, (_N - 1, _N), 0)
    j_iota = lax.broadcasted_iota(jnp.int32, (_N - 1, _N), 1)
    tri = (k_iota < j_iota).astype(jnp.float32)
    ts = lax.dot_general(dtwt, tri, (((1,), (0,)), ((), ())),
                         precision=lax.Precision.HIGHEST,
                         preferred_element_type=jnp.float32)
    ts_ref[...] = ts
    ti = 0.5 * (ts[:, :-1] + ts[:, 1:])
    tip_ref[...] = jnp.concatenate(
        [ti, jnp.full((_B, 1), _PADC, jnp.float32)], axis=1)
    wt = wt_ref[...]
    wa = wa_ref[...]
    eps = jnp.finfo(jnp.float32).eps
    t0 = wt[:, :-1]
    t1 = wt[:, 1:]
    a0 = wa[:, :-1]
    a1 = wa[:, 1:]
    s = (a1 - a0) / jnp.maximum(t1 - t0, eps)
    b = a0 - s * t0
    zero1 = jnp.zeros((1, 1), jnp.float32)
    ds = s - jnp.concatenate([zero1, s[:, :-1]], axis=1)
    db = b - jnp.concatenate([zero1, b[:, :-1]], axis=1)
    coef_ref[...] = jnp.zeros((8, 128), jnp.float32)
    coef_ref[0:1, 0:_K] = wt
    coef_ref[1:2, 0:_K - 1] = ds
    coef_ref[2:3, 0:_K - 1] = db


def _band_body(coef_ref, ts_ref, tip_ref, out_ref):
    ts = ts_ref[0]
    ti = tip_ref[0]
    wt0 = coef_ref[0, 0]
    wt_last = coef_ref[0, _K - 1]
    rmin = jnp.min(ts)
    rmax = jnp.max(ts)
    cmin = jnp.min(ti)
    cmax = jnp.max(ti)
    live = jnp.logical_and(rmax - cmin >= wt0, rmin - cmax <= wt_last)

    @pl.when(live)
    def _compute():
        tsb = jnp.broadcast_to(ts.reshape(_RBLK, 1), (_RBLK, _CBLK))
        tau = tsb - ti
        s_acc = jnp.full((_RBLK, _CBLK), coef_ref[1, 0], jnp.float32)
        b_acc = jnp.full((_RBLK, _CBLK), coef_ref[2, 0], jnp.float32)
        for k in range(2, _K):
            m = (tau > coef_ref[0, k - 1]).astype(jnp.float32)
            s_acc = s_acc + m * coef_ref[1, k - 1]
            b_acc = b_acc + m * coef_ref[2, k - 1]
        val = s_acc * tau + b_acc
        val = jnp.where((tau < wt0) | (tau > wt_last), 0.0, val)
        out_ref[0] = val

    @pl.when(jnp.logical_not(live))
    def _zeros():
        out_ref[0] = jnp.zeros((_RBLK, _CBLK), jnp.float32)


def kernel(velocity_mps, depth_axis_m, wavelet_time_s, wavelet_amp):
    v = velocity_mps.astype(jnp.float32)
    d = depth_axis_m.astype(jnp.float32).reshape(1, _N)
    wt = wavelet_time_s.astype(jnp.float32).reshape(1, _K)
    wa = wavelet_amp.astype(jnp.float32).reshape(1, _K)

    ts, tip, coef = pl.pallas_call(
        _twt_body,
        out_shape=(
            jax.ShapeDtypeStruct((_B, _N), jnp.float32),
            jax.ShapeDtypeStruct((_B, _N), jnp.float32),
            jax.ShapeDtypeStruct((8, 128), jnp.float32),
        ),
    )(v, d, wt, wa)

    ts3 = ts.reshape(_B, 1, _N)
    tip3 = tip.reshape(_B, 1, _N)
    nr = _N // _RBLK
    nc = _N // _CBLK

    padded = pl.pallas_call(
        _band_body,
        grid=(_B, nr, nc),
        in_specs=[
            pl.BlockSpec(memory_space=pltpu.SMEM),
            pl.BlockSpec((1, 1, _RBLK), lambda b, i, j: (b, 0, i)),
            pl.BlockSpec((1, 1, _CBLK), lambda b, i, j: (b, 0, j)),
        ],
        out_specs=pl.BlockSpec((1, _RBLK, _CBLK), lambda b, i, j: (b, i, j)),
        out_shape=jax.ShapeDtypeStruct((_B, _N, _N), jnp.float32),
        compiler_params=pltpu.CompilerParams(
            dimension_semantics=("parallel", "parallel", "parallel")),
    )(coef, ts3, tip3)

    return padded[:, :, : _N - 1]

# --- scband reference (transcript-rebuilt; emitter-appended) ---
"""Pipeline reference for scband-depth-wavelet-matrix-builder-63857573757313 (READ-ONLY COPY).

The authoritative reference and input builder live on the scoring server;
editing this copy changes nothing except your own understanding.
"""

import jax, jax.numpy as jnp
import numpy as np

_WT = np.array([-0.032, -0.03, -0.028, -0.026, -0.024, -0.022, -0.02, -0.018, -0.016, -0.014, -0.012, -0.01, -0.008, -0.006, -0.004, -0.002, 0.0, 0.002, 0.004, 0.006, 0.008, 0.01, 0.012, 0.014, 0.016, 0.018, 0.02, 0.022, 0.024, 0.026, 0.028, 0.03, 0.032], dtype=np.float32)
_WA = np.array([-0.00193, -0.00505, -0.01222, -0.02715, -0.0553, -0.1031, -0.1747, -0.2675, -0.3653, -0.4354, -0.4337, -0.3195, -0.0776, 0.2618, 0.6209, 0.8965, 1.0, 0.8965, 0.6209, 0.2618, -0.0776, -0.3195, -0.4337, -0.4354, -0.3653, -0.2675, -0.1747, -0.1031, -0.0553, -0.02715, -0.01222, -0.00505, -0.00193], dtype=np.float32)


def setup_inputs(seed: int = 0) -> dict:
    key = jax.random.key(seed)
    velocity_mps = jax.random.uniform(jax.random.fold_in(key, 0), (8, 1024), dtype=jnp.float32, minval=1500.0, maxval=5000.0)
    depth_axis_m = jnp.arange(1024, dtype=jnp.float32)
    return {
        "velocity_mps": velocity_mps,
        "depth_axis_m": depth_axis_m,
        "wavelet_time_s": jnp.asarray(_WT),
        "wavelet_amp": jnp.asarray(_WA),
    }


def _forward(v, d, wt, wa):
    # TWT axes from depth-domain velocity
    dz = d[1:] - d[:-1]
    inv_v_mid = 0.5 * (1.0 / v[:, :-1] + 1.0 / v[:, 1:])
    dtwt = 2.0 * dz[None, :] * inv_v_mid
    twt_sample = jnp.concatenate([jnp.zeros((v.shape[0], 1), v.dtype), jnp.cumsum(dtwt, axis=1)], axis=1)
    twt_interface = 0.5 * (twt_sample[:, :-1] + twt_sample[:, 1:])
    tau = twt_sample[:, :, None] - twt_interface[:, None, :]
    # linear interpolation of the wavelet at tau (searchsorted + gathers)
    outside = (tau < wt[0]) | (tau > wt[-1])
    idx_right = jnp.clip(jnp.searchsorted(wt, tau, side="left"), 1, wt.shape[0] - 1)
    idx_left = idx_right - 1
    t0 = wt[idx_left]
    t1 = wt[idx_right]
    a0 = wa[idx_left]
    a1 = wa[idx_right]
    eps = jnp.finfo(tau.dtype).eps
    alpha = (tau - t0) / jnp.maximum(t1 - t0, eps)
    values = a0 + alpha * (a1 - a0)
    values = jnp.where(outside, jnp.zeros_like(values), values)
    # amplitude_threshold == 0.0 -> no extra masking
    return values


def reference(velocity_mps, depth_axis_m, wavelet_time_s, wavelet_amp):
    return _forward(velocity_mps, depth_axis_m, wavelet_time_s, wavelet_amp)

if __name__ == "__main__":
    import jax
    _d = setup_inputs()
    print(jax.jit(kernel)(*tuple(_d.values())))

</pallas_src>

<mosaic_0001>
module attributes {stable_mosaic.version = 14 : i64} {
  func.func @_twt_body(%arg0: memref<8x1024xf32, #tpu.memory_space<vmem>>, %arg1: memref<1x1024xf32, #tpu.memory_space<vmem>>, %arg2: memref<1x33xf32, #tpu.memory_space<vmem>>, %arg3: memref<1x33xf32, #tpu.memory_space<vmem>>, %arg4: memref<8x1024xf32, #tpu.memory_space<vmem>>, %arg5: memref<8x1024xf32, #tpu.memory_space<vmem>>, %arg6: memref<8x128xf32, #tpu.memory_space<vmem>>) attributes {dimension_semantics = [], scalar_prefetch = 0 : i64, scratch_operands = 0 : i64, tpu.core_type = #tpu.core_type<tc>} {
    %get3A = arith.constant 0 : index
    %get3A_0 = arith.constant 0 : index
    %get3A_1 = vector.load %arg0[%get3A, %get3A_0] : memref<8x1024xf32, #tpu.memory_space<vmem>>, vector<8x1024xf32>
    %get3A_2 = arith.constant 0 : index
    %get3A_3 = arith.constant 0 : index
    %get3A_4 = vector.load %arg1[%get3A_2, %get3A_3] : memref<1x1024xf32, #tpu.memory_space<vmem>>, vector<1x1024xf32>
    %slice3A = vector.extract_strided_slice %get3A_4 {offsets = [0, 1], sizes = [1, 1023], strides = [1, 1]} : vector<1x1024xf32> to vector<1x1023xf32>
    %slice3A_5 = vector.extract_strided_slice %get3A_4 {offsets = [0, 0], sizes = [1, 1023], strides = [1, 1]} : vector<1x1024xf32> to vector<1x1023xf32>
    %sub3A = arith.subf %slice3A, %slice3A_5 : vector<1x1023xf32>
    %div3A = arith.constant 1.000000e+00 : f32
    %div3A_6 = vector.broadcast %div3A : f32 to vector<8x1024xf32>
    %div3A_7 = arith.divf %div3A_6, %get3A_1 : vector<8x1024xf32>
    %slice3A_8 = vector.extract_strided_slice %div3A_7 {offsets = [0, 0], sizes = [8, 1023], strides = [1, 1]} : vector<8x1024xf32> to vector<8x1023xf32>
    %slice3A_9 = vector.extract_strided_slice %div3A_7 {offsets = [0, 1], sizes = [8, 1023], strides = [1, 1]} : vector<8x1024xf32> to vector<8x1023xf32>
    %add3A = arith.addf %slice3A_8, %slice3A_9 : vector<8x1023xf32>
    %mul3A = arith.constant 5.000000e-01 : f32
    %mul3A_10 = vector.broadcast %mul3A : f32 to vector<8x1023xf32>
    %mul3A_11 = arith.mulf %mul3A_10, %add3A : vector<8x1023xf32>
    %mul3A_12 = arith.constant 2.000000e+00 : f32
    %mul3A_13 = vector.broadcast %mul3A_12 : f32 to vector<1x1023xf32>
    %mul3A_14 = arith.mulf %mul3A_13, %sub3A : vector<1x1023xf32>
    %mul3A_15 = vector.broadcast %mul3A_14 : vector<1x1023xf32> to vector<8x1023xf32>
    %mul3A_16 = arith.mulf %mul3A_15, %mul3A_11 : vector<8x1023xf32>
    %iota3A = tpu.iota {dimensions = array<i32: 0>} : vector<1023x1024xi32>
    %iota3A_17 = tpu.iota {dimensions = array<i32: 1>} : vector<1023x1024xi32>
    %lt3A = arith.cmpi slt, %iota3A, %iota3A_17 : vector<1023x1024xi32>
    %convert_element_type3A = arith.extui %lt3A : vector<1023x1024xi1> to vector<1023x1024xi32>
    %convert_element_type3A_18 = arith.sitofp %convert_element_type3A : vector<1023x1024xi32> to vector<1023x1024xf32>
    %dot_general3A = arith.constant dense<0.000000e+00> : vector<8x1024xf32>
    %dot_general3A_19 = tpu.matmul %mul3A_16, %convert_element_type3A_18, %dot_general3A {dimension_numbers = #tpu.dot_dimension_numbers<[1], [0], [0], [1], [0, 0, 1, 1], [], []>, precision = #tpu.contract_precision<fp32>, transpose_lhs_hint = false} : vector<8x1023xf32>, vector<1023x1024xf32>, vector<8x1024xf32> -> vector<8x1024xf32>
    %swap3A = arith.constant 0 : index
    %swap3A_20 = arith.constant 0 : index
    %swap3A_21 = vector.load %arg4[%swap3A, %swap3A_20] : memref<8x1024xf32, #tpu.memory_space<vmem>>, vector<8x1024xf32>
    tpu.vector_store %arg4[%swap3A, %swap3A_20], %dot_general3A_19 {strides = array<i32>} : memref<8x1024xf32, #tpu.memory_space<vmem>>, vector<8x1024xf32>,
    %slice3A_22 = vector.extract_strided_slice %dot_general3A_19 {offsets = [0, 0], sizes = [8, 1023], strides = [1, 1]} : vector<8x1024xf32> to vector<8x1023xf32>
    %slice3A_23 = vector.extract_strided_slice %dot_general3A_19 {offsets = [0, 1], sizes = [8, 1023], strides = [1, 1]} : vector<8x1024xf32> to vector<8x1023xf32>
    %add3A_24 = arith.addf %slice3A_22, %slice3A_23 : vector<8x1023xf32>
    %mul3A_25 = arith.constant 5.000000e-01 : f32
    %mul3A_26 = vector.broadcast %mul3A_25 : f32 to vector<8x1023xf32>
    %mul3A_27 = arith.mulf %mul3A_26, %add3A_24 : vector<8x1023xf32>
    %broadcast_in_dim3A = arith.constant 1.000000e+30 : f32
    %broadcast_in_dim3A_28 = vector.broadcast %broadcast_in_dim3A : f32 to vector<8x1xf32>
    %concatenate3A = tpu.concatenate %mul3A_27, %broadcast_in_dim3A_28 in 1 : vector<8x1023xf32>, vector<8x1xf32> -> vector<8x1024xf32>
    %swap3A_29 = arith.constant 0 : index
    %swap3A_30 = arith.constant 0 : index
    %swap3A_31 = vector.load %arg5[%swap3A_29, %swap3A_30] : memref<8x1024xf32, #tpu.memory_space<vmem>>, vector<8x1024xf32>
    tpu.vector_store %arg5[%swap3A_29, %swap3A_30], %concatenate3A {strides = array<i32>} : memref<8x1024xf32, #tpu.memory_space<vmem>>, vector<8x1024xf32>,
    %get3A_32 = arith.constant 0 : index
    %get3A_33 = arith.constant 0 : index
    %get3A_34 = vector.load %arg2[%get3A_32, %get3A_33] : memref<1x33xf32, #tpu.memory_space<vmem>>, vector<1x33xf32>
    %get3A_35 = arith.constant 0 : index
    %get3A_36 = arith.constant 0 : index
    %get3A_37 = vector.load %arg3[%get3A_35, %get3A_36] : memref<1x33xf32, #tpu.memory_space<vmem>>, vector<1x33xf32>
    %slice3A_38 = vector.extract_strided_slice %get3A_34 {offsets = [0, 0], sizes = [1, 32], strides = [1, 1]} : vector<1x33xf32> to vector<1x32xf32>
    %slice3A_39 = vector.extract_strided_slice %get3A_34 {offsets = [0, 1], sizes = [1, 32], strides = [1, 1]} : vector<1x33xf32> to vector<1x32xf32>
    %slice3A_40 = vector.extract_strided_slice %get3A_37 {offsets = [0, 0], sizes = [1, 32], strides = [1, 1]} : vector<1x33xf32> to vector<1x32xf32>
    %slice3A_41 = vector.extract_strided_slice %get3A_37 {offsets = [0, 1], sizes = [1, 32], strides = [1, 1]} : vector<1x33xf32> to vector<1x32xf32>
    %sub3A_42 = arith.subf %slice3A_41, %slice3A_40 : vector<1x32xf32>
    %sub3A_43 = arith.subf %slice3A_39, %slice3A_38 : vector<1x32xf32>
    %max3A = arith.constant 1.1920929E-7 : f32
    %max3A_44 = vector.broadcast %max3A : f32 to vector<1x32xf32>
    %max3A_45 = arith.maximumf %sub3A_43, %max3A_44 : vector<1x32xf32>
    %div3A_46 = arith.divf %sub3A_42, %max3A_45 : vector<1x32xf32>
    %mul3A_47 = arith.mulf %div3A_46, %slice3A_38 : vector<1x32xf32>
    %sub3A_48 = arith.subf %slice3A_40, %mul3A_47 : vector<1x32xf32>
    %broadcast_in_dim3A_49 = arith.constant 0.000000e+00 : f32
    %broadcast_in_dim3A_50 = vector.broadcast %broadcast_in_dim3A_49 : f32 to vector<1x1xf32>
    %slice3A_51 = vector.extract_strided_slice %div3A_46 {offsets = [0, 0], sizes = [1, 31], strides = [1, 1]} : vector<1x32xf32> to vector<1x31xf32>
    %concatenate3A_52 = tpu.concatenate %broadcast_in_dim3A_50, %slice3A_51 in 1 : vector<1x1xf32>, vector<1x31xf32> -> vector<1x32xf32>
    %sub3A_53 = arith.subf %div3A_46, %concatenate3A_52 : vector<1x32xf32>
    %slice3A_54 = vector.extract_strided_slice %sub3A_48 {offsets = [0, 0], sizes = [1, 31], strides = [1, 1]} : vector<1x32xf32> to vector<1x31xf32>
    %concatenate3A_55 = tpu.concatenate %broadcast_in_dim3A_50, %slice3A_54 in 1 : vector<1x1xf32>, vector<1x31xf32> -> vector<1x32xf32>
    %sub3A_56 = arith.subf %sub3A_48, %concatenate3A_55 : vector<1x32xf32>
    %broadcast_in_dim3A_57 = arith.constant 0.000000e+00 : f32
    %broadcast_in_dim3A_58 = vector.broadcast %broadcast_in_dim3A_57 : f32 to vector<8x128xf32>
    %swap3A_59 = arith.constant 0 : index
    %swap3A_60 = arith.constant 0 : index
    %swap3A_61 = vector.load %arg6[%swap3A_59, %swap3A_60] : memref<8x128xf32, #tpu.memory_space<vmem>>, vector<8x128xf32>
    tpu.vector_store %arg6[%swap3A_59, %swap3A_60], %broadcast_in_dim3A_58 {strides = array<i32>} : memref<8x128xf32, #tpu.memory_space<vmem>>, vector<8x128xf32>,
    %swap3A_62 = arith.constant 0 : index
    %swap3A_63 = arith.constant 0 : index
    %swap3A_64 = vector.load %arg6[%swap3A_62, %swap3A_63] : memref<8x128xf32, #tpu.memory_space<vmem>>, vector<1x33xf32>
    tpu.vector_store %arg6[%swap3A_62, %swap3A_63], %get3A_34 {strides = array<i32>} : memref<8x128xf32, #tpu.memory_space<vmem>>, vector<1x33xf32>,
    %swap3A_65 = arith.constant 1 : index
    %swap3A_66 = arith.constant 0 : index
    %swap3A_67 = vector.load %arg6[%swap3A_65, %swap3A_66] : memref<8x128xf32, #tpu.memory_space<vmem>>, vector<1x32xf32>
    tpu.vector_store %arg6[%swap3A_65, %swap3A_66], %sub3A_53 {strides = array<i32>} : memref<8x128xf32, #tpu.memory_space<vmem>>, vector<1x32xf32>,
    %swap3A_68 = arith.constant 2 : index
    %swap3A_69 = arith.constant 0 : index
    %swap3A_70 = vector.load %arg6[%swap3A_68, %swap3A_69] : memref<8x128xf32, #tpu.memory_space<vmem>>, vector<1x32xf32>
    tpu.vector_store %arg6[%swap3A_68, %swap3A_69], %sub3A_56 {strides = array<i32>} : memref<8x128xf32, #tpu.memory_space<vmem>>, vector<1x32xf32>,
    return
  }
}

module attributes {stable_mosaic.version = 14 : i64} {
  func.func @_band_body(%arg0: i32, %arg1: i32, %arg2: i32, %arg3: memref<8x128xf32, #tpu.memory_space<smem>>, %arg4: memref<1x1x256xf32, #tpu.memory_space<vmem>>, %arg5: memref<1x1x256xf32, #tpu.memory_space<vmem>>, %arg6: memref<1x256x256xf32, #tpu.memory_space<vmem>>) attributes {dimension_semantics = [#tpu.dimension_semantics<parallel>, #tpu.dimension_semantics<parallel>, #tpu.dimension_semantics<parallel>], iteration_bounds = array<i64: 8, 4, 4>, scalar_prefetch = 0 : i64, scratch_operands = 0 : i64, tpu.core_type = #tpu.core_type<tc>, window_params = [{transform_indices = @transform_0, window_bounds = array<i64: 8, 128>}, {transform_indices = @transform_1, window_bounds = array<i64: 1, 1, 256>}, {transform_indices = @transform_2, window_bounds = array<i64: 1, 1, 256>}, {transform_indices = @transform_3, window_bounds = array<i64: 1, 256, 256>}]} {
    %get3A = arith.constant 0 : index
    %get3A_0 = arith.constant 0 : index
    %get3A_1 = arith.constant 0 : index
    %get3A_2 = vector.load %arg4[%get3A, %get3A_0, %get3A_1] : memref<1x1x256xf32, #tpu.memory_space<vmem>>, vector<1x1x256xf32>
    %get3A_3 = vector.shape_cast %get3A_2 : vector<1x1x256xf32> to vector<1x256xf32>
    %get3A_4 = arith.constant 0 : index
    %get3A_5 = arith.constant 0 : index
    %get3A_6 = arith.constant 0 : index
    %get3A_7 = vector.load %arg5[%get3A_4, %get3A_5, %get3A_6] : memref<1x1x256xf32, #tpu.memory_space<vmem>>, vector<1x1x256xf32>
    %get3A_8 = vector.shape_cast %get3A_7 : vector<1x1x256xf32> to vector<1x256xf32>
    %get3A_9 = arith.constant 0 : index
    %get3A_10 = arith.constant 0 : index
    %get3A_11 = memref.load %arg3[%get3A_9, %get3A_10] : memref<8x128xf32, #tpu.memory_space<smem>>
    %get3A_12 = arith.constant 0 : index
    %get3A_13 = arith.constant 32 : index
    %get3A_14 = memref.load %arg3[%get3A_12, %get3A_13] : memref<8x128xf32, #tpu.memory_space<smem>>
    %reduce_min3A = vector.shape_cast %get3A_3 : vector<1x256xf32> to vector<1x1x256xf32>
    %reduce_min3A_15 = arith.constant dense<0x7F800000> : vector<1xf32>
    %reduce_min3A_16 = vector.multi_reduction <minimumf>, %reduce_min3A, %reduce_min3A_15 [1, 2] : vector<1x1x256xf32> to vector<1xf32>
    %reduce_min3A_17 = vector.shape_cast %reduce_min3A_16 : vector<1xf32> to vector<1x1x1xf32>
    %reduce_min3A_18 = vector.extract %reduce_min3A_17[0, 0, 0] : f32 from vector<1x1x1xf32>
    %reduce_max3A = vector.shape_cast %get3A_3 : vector<1x256xf32> to vector<1x1x256xf32>
    %reduce_max3A_19 = arith.constant dense<0xFF800000> : vector<1xf32>
    %reduce_max3A_20 = vector.multi_reduction <maximumf>, %reduce_max3A, %reduce_max3A_19 [1, 2] : vector<1x1x256xf32> to vector<1xf32>
    %reduce_max3A_21 = vector.shape_cast %reduce_max3A_20 : vector<1xf32> to vector<1x1x1xf32>
    %reduce_max3A_22 = vector.extract %reduce_max3A_21[0, 0, 0] : f32 from vector<1x1x1xf32>
    %reduce_min3A_23 = vector.shape_cast %get3A_8 : vector<1x256xf32> to vector<1x1x256xf32>
    %reduce_min3A_24 = arith.constant dense<0x7F800000> : vector<1xf32>
    %reduce_min3A_25 = vector.multi_reduction <minimumf>, %reduce_min3A_23, %reduce_min3A_24 [1, 2] : vector<1x1x256xf32> to vector<1xf32>
    %reduce_min3A_26 = vector.shape_cast %reduce_min3A_25 : vector<1xf32> to vector<1x1x1xf32>
    %reduce_min3A_27 = vector.extract %reduce_min3A_26[0, 0, 0] : f32 from vector<1x1x1xf32>
    %reduce_max3A_28 = vector.shape_cast %get3A_8 : vector<1x256xf32> to vector<1x1x256xf32>
    %reduce_max3A_29 = arith.constant dense<0xFF800000> : vector<1xf32>
    %reduce_max3A_30 = vector.multi_reduction <maximumf>, %reduce_max3A_28, %reduce_max3A_29 [1, 2] : vector<1x1x256xf32> to vector<1xf32>
    %reduce_max3A_31 = vector.shape_cast %reduce_max3A_30 : vector<1xf32> to vector<1x1x1xf32>
    %reduce_max3A_32 = vector.extract %reduce_max3A_31[0, 0, 0] : f32 from vector<1x1x1xf32>
    %sub3A = arith.subf %reduce_max3A_22, %reduce_min3A_27 : f32
    %ge3A = arith.cmpf oge, %sub3A, %get3A_11 : f32
    %sub3A_33 = arith.subf %reduce_min3A_18, %reduce_max3A_32 : f32
    %le3A = arith.cmpf ole, %sub3A_33, %get3A_14 : f32
    %and3A = arith.andi %ge3A, %le3A : i1
    %convert_element_type3A = arith.extui %and3A : i1 to i32
    %cond3A = arith.constant 0 : i32
    %cond3A_34 = arith.cmpi ne, %convert_element_type3A, %cond3A : i32
    scf.if %cond3A_34 {
      %reshape3A = vector.shape_cast %get3A_3 : vector<1x256xf32> to vector<256x1xf32>
      %broadcast_in_dim3A = vector.shape_cast %reshape3A : vector<256x1xf32> to vector<256x1xf32>
      %broadcast_in_dim3A_39 = vector.broadcast %broadcast_in_dim3A : vector<256x1xf32> to vector<256x256xf32>
      %sub3A_40 = vector.broadcast %get3A_8 : vector<1x256xf32> to vector<256x256xf32>
      %sub3A_41 = arith.subf %broadcast_in_dim3A_39, %sub3A_40 : vector<256x256xf32>
      %get3A_42 = arith.constant 1 : index
      %get3A_43 = arith.constant 0 : index
      %get3A_44 = memref.load %arg3[%get3A_42, %get3A_43] : memref<8x128xf32, #tpu.memory_space<smem>>
      %broadcast_in_dim3A_45 = vector.broadcast %get3A_44 : f32 to vector<256x256xf32>
      %get3A_46 = arith.constant 2 : index
      %get3A_47 = arith.constant 0 : index
      %get3A_48 = memref.load %arg3[%get3A_46, %get3A_47] : memref<8x128xf32, #tpu.memory_space<smem>>
      %broadcast_in_dim3A_49 = vector.broadcast %get3A_48 : f32 to vector<256x256xf32>
      %get3A_50 = arith.constant 0 : index
      %get3A_51 = arith.constant 1 : index
      %get3A_52 = memref.load %arg3[%get3A_50, %get3A_51] : memref<8x128xf32, #tpu.memory_space<smem>>
      %gt3A = vector.broadcast %get3A_52 : f32 to vector<256x256xf32>
      %gt3A_53 = arith.cmpf ogt, %sub3A_41, %gt3A : vector<256x256xf32>
      %convert_element_type3A_54 = arith.extui %gt3A_53 : vector<256x256xi1> to vector<256x256xi32>
      %convert_element_type3A_55 = arith.sitofp %convert_element_type3A_54 : vector<256x256xi32> to vector<256x256xf32>
      %get3A_56 = arith.constant 1 : index
      %get3A_57 = arith.constant 1 : index
      %get3A_58 = memref.load %arg3[%get3A_56, %get3A_57] : memref<8x128xf32, #tpu.memory_space<smem>>
      %mul3A = vector.broadcast %get3A_58 : f32 to vector<256x256xf32>
      %mul3A_59 = arith.mulf %convert_element_type3A_55, %mul3A : vector<256x256xf32>
      %add3A = arith.addf %broadcast_in_dim3A_45, %mul3A_59 : vector<256x256xf32>
      %get3A_60 = arith.constant 2 : index
      %get3A_61 = arith.constant 1 : index
      %get3A_62 = memref.load %arg3[%get3A_60, %get3A_61] : memref<8x128xf32, #tpu.memory_space<smem>>
      %mul3A_63 = vector.broadcast %get3A_62 : f32 to vector<256x256xf32>
      %mul3A_64 = arith.mulf %convert_element_type3A_55, %mul3A_63 : vector<256x256xf32>
      %add3A_65 = arith.addf %broadcast_in_dim3A_49, %mul3A_64 : vector<256x256xf32>
      %get3A_66 = arith.constant 0 : index
      %get3A_67 = arith.constant 2 : index
      %get3A_68 = memref.load %arg3[%get3A_66, %get3A_67] : memref<8x128xf32, #tpu.memory_space<smem>>
      %gt3A_69 = vector.broadcast %get3A_68 : f32 to vector<256x256xf32>
      %gt3A_70 = arith.cmpf ogt, %sub3A_41, %gt3A_69 : vector<256x256xf32>
      %convert_element_type3A_71 = arith.extui %gt3A_70 : vector<256x256xi1> to vector<256x256xi32>
      %convert_element_type3A_72 = arith.sitofp %convert_element_type3A_71 : vector<256x256xi32> to vector<256x256xf32>
      %get3A_73 = arith.constant 1 : index
      %get3A_74 = arith.constant 2 : index
      %get3A_75 = memref.load %arg3[%get3A_73, %get3A_74] : memref<8x128xf32, #tpu.memory_space<smem>>
      %mul3A_76 = vector.broadcast %get3A_75 : f32 to vector<256x256xf32>
      %mul3A_77 = arith.mulf %convert_element_type3A_72, %mul3A_76 : vector<256x256xf32>
      %add3A_78 = arith.addf %add3A, %mul3A_77 : vector<256x256xf32>
      %get3A_79 = arith.constant 2 : index
      %get3A_80 = arith.constant 2 : index
      %get3A_81 = memref.load %arg3[%get3A_79, %get3A_80] : memref<8x128xf32, #tpu.memory_space<smem>>
      %mul3A_82 = vector.broadcast %get3A_81 : f32 to vector<256x256xf32>
      %mul3A_83 = arith.mulf %convert_element_type3A_72, %mul3A_82 : vector<256x256xf32>
      %add3A_84 = arith.addf %add3A_65, %mul3A_83 : vector<256x256xf32>
      %get3A_85 = arith.constant 0 : index
      %get3A_86 = arith.constant 3 : index
      %get3A_87 = memref.load %arg3[%get3A_85, %get3A_86] : memref<8x128xf32, #tpu.memory_space<smem>>
      %gt3A_88 = vector.broadcast %get3A_87 : f32 to vector<256x256xf32>
      %gt3A_89 = arith.cmpf ogt, %sub3A_41, %gt3A_88 : vector<256x256xf32>
      %convert_element_type3A_90 = arith.extui %gt3A_89 : vector<256x256xi1> to vector<256x256xi32>
      %convert_element_type3A_91 = arith.sitofp %convert_element_type3A_90 : vector<256x256xi32> to vector<256x256xf32>
      %get3A_92 = arith.constant 1 : index
      %get3A_93 = arith.constant 3 : index
      %get3A_94 = memref.load %arg3[%get3A_92, %get3A_93] : memref<8x128xf32, #tpu.memory_space<smem>>
      %mul3A_95 = vector.broadcast %get3A_94 : f32 to vector<256x256xf32>
      %mul3A_96 = arith.mulf %convert_element_type3A_91, %mul3A_95 : vector<256x256xf32>
      %add3A_97 = arith.addf %add3A_78, %mul3A_96 : vector<256x256xf32>
      %get3A_98 = arith.constant 2 : index
      %get3A_99 = arith.constant 3 : index
      %get3A_100 = memref.load %arg3[%get3A_98, %get3A_99] : memref<8x128xf32, #tpu.memory_space<smem>>
      %mul3A_101 = vector.broadcast %get3A_100 : f32 to vector<256x256xf32>
      %mul3A_102 = arith.mulf %convert_element_type3A_91, %mul3A_101 : vector<256x256xf32>
      %add3A_103 = arith.addf %add3A_84, %mul3A_102 : vector<256x256xf32>
      %get3A_104 = arith.constant 0 : index
      %get3A_105 = arith.constant 4 : index
      %get3A_106 = memref.load %arg3[%get3A_104, %get3A_105] : memref<8x128xf32, #tpu.memory_space<smem>>
      %gt3A_107 = vector.broadcast %get3A_106 : f32 to vector<256x256xf32>
      %gt3A_108 = arith.cmpf ogt, %sub3A_41, %gt3A_107 : vector<256x256xf32>
      %convert_element_type3A_109 = arith.extui %gt3A_108 : vector<256x256xi1> to vector<256x256xi32>
      %convert_element_type3A_110 = arith.sitofp %convert_element_type3A_109 : vector<256x256xi32> to vector<256x256xf32>
      %get3A_111 = arith.constant 1 : index
      %get3A_112 = arith.constant 4 : index
      %get3A_113 = memref.load %arg3[%get3A_111, %get3A_112] : memref<8x128xf32, #tpu.memory_space<smem>>
      %mul3A_114 = vector.broadcast %get3A_113 : f32 to vector<256x256xf32>
      %mul3A_115 = arith.mulf %convert_element_type3A_110, %mul3A_114 : vector<256x256xf32>
      %add3A_116 = arith.addf %add3A_97, %mul3A_115 : vector<256x256xf32>
      %get3A_117 = arith.constant 2 : index
      %get3A_118 = arith.constant 4 : index
      %get3A_119 = memref.load %arg3[%get3A_117, %get3A_118] : memref<8x128xf32, #tpu.memory_space<smem>>
      %mul3A_120 = vector.broadcast %get3A_119 : f32 to vector<256x256xf32>
      %mul3A_121 = arith.mulf %convert_element_type3A_110, %mul3A_120 : vector<256x256xf32>
      %add3A_122 = arith.addf %add3A_103, %mul3A_121 : vector<256x256xf32>
      %get3A_123 = arith.constant 0 : index
      %get3A_124 = arith.constant 5 : index
      %get3A_125 = memref.load %arg3[%get3A_123, %get3A_124] : memref<8x128xf32, #tpu.memory_space<smem>>
      %gt3A_126 = vector.broadcast %get3A_125 : f32 to vector<256x256xf32>
      %gt3A_127 = arith.cmpf ogt, %sub3A_41, %gt3A_126 : vector<256x256xf32>
      %convert_element_type3A_128 = arith.extui %gt3A_127 : vector<256x256xi1> to vector<256x256xi32>
      %convert_element_type3A_129 = arith.sitofp %convert_element_type3A_128 : vector<256x256xi32> to vector<256x256xf32>
      %get3A_130 = arith.constant 1 : index
      %get3A_131 = arith.constant 5 : index
      %get3A_132 = memref.load %arg3[%get3A_130, %get3A_131] : memref<8x128xf32, #tpu.memory_space<smem>>
      %mul3A_133 = vector.broadcast %get3A_132 : f32 to vector<256x256xf32>
      %mul3A_134 = arith.mulf %convert_element_type3A_129, %mul3A_133 : vector<256x256xf32>
      %add3A_135 = arith.addf %add3A_116, %mul3A_134 : vector<256x256xf32>
      %get3A_136 = arith.constant 2 : index
      %get3A_137 = arith.constant 5 : index
      %get3A_138 = memref.load %arg3[%get3A_136, %get3A_137] : memref<8x128xf32, #tpu.memory_space<smem>>
      %mul3A_139 = vector.broadcast %get3A_138 : f32 to vector<256x256xf32>
      %mul3A_140 = arith.mulf %convert_element_type3A_129, %mul3A_139 : vector<256x256xf32>
      %add3A_141 = arith.addf %add3A_122, %mul3A_140 : vector<256x256xf32>
      %get3A_142 = arith.constant 0 : index
      %get3A_143 = arith.constant 6 : index
      %get3A_144 = memref.load %arg3[%get3A_142, %get3A_143] : memref<8x128xf32, #tpu.memory_space<smem>>
      %gt3A_145 = vector.broadcast %get3A_144 : f32 to vector<256x256xf32>
      %gt3A_146 = arith.cmpf ogt, %sub3A_41, %gt3A_145 : vector<256x256xf32>
      %convert_element_type3A_147 = arith.extui %gt3A_146 : vector<256x256xi1> to vector<256x256xi32>
      %convert_element_type3A_148 = arith.sitofp %convert_element_type3A_147 : vector<256x256xi32> to vector<256x256xf32>
      %get3A_149 = arith.constant 1 : index
      %get3A_150 = arith.constant 6 : index
      %get3A_151 = memref.load %arg3[%get3A_149, %get3A_150] : memref<8x128xf32, #tpu.memory_space<smem>>
      %mul3A_152 = vector.broadcast %get3A_151 : f32 to vector<256x256xf32>
      %mul3A_153 = arith.mulf %convert_element_type3A_148, %mul3A_152 : vector<256x256xf32>
      %add3A_154 = arith.addf %add3A_135, %mul3A_153 : vector<256x256xf32>
      %get3A_155 = arith.constant 2 : index
      %get3A_156 = arith.constant 6 : index
      %get3A_157 = memref.load %arg3[%get3A_155, %get3A_156] : memref<8x128xf32, #tpu.memory_space<smem>>
      %mul3A_158 = vector.broadcast %get3A_157 : f32 to vector<256x256xf32>
      %mul3A_159 = arith.mulf %convert_element_type3A_148, %mul3A_158 : vector<256x256xf32>
      %add3A_160 = arith.addf %add3A_141, %mul3A_159 : vector<256x256xf32>
      %get3A_161 = arith.constant 0 : index
      %get3A_162 = arith.constant 7 : index
      %get3A_163 = memref.load %arg3[%get3A_161, %get3A_162] : memref<8x128xf32, #tpu.memory_space<smem>>
      %gt3A_164 = vector.broadcast %get3A_163 : f32 to vector<256x256xf32>
      %gt3A_165 = arith.cmpf ogt, %sub3A_41, %gt3A_164 : vector<256x256xf32>
      %convert_element_type3A_166 = arith.extui %gt3A_165 : vector<256x256xi1> to vector<256x256xi32>
      %convert_element_type3A_167 = arith.sitofp %convert_element_type3A_166 : vector<256x256xi32> to vector<256x256xf32>
      %get3A_168 = arith.constant 1 : index
      %get3A_169 = arith.constant 7 : index
      %get3A_170 = memref.load %arg3[%get3A_168, %get3A_169] : memref<8x128xf32, #tpu.memory_space<smem>>
      %mul3A_171 = vector.broadcast %get3A_170 : f32 to vector<256x256xf32>
      %mul3A_172 = arith.mulf %convert_element_type3A_167, %mul3A_171 : vector<256x256xf32>
      %add3A_173 = arith.addf %add3A_154, %mul3A_172 : vector<256x256xf32>
      %get3A_174 = arith.constant 2 : index
      %get3A_175 = arith.constant 7 : index
      %get3A_176 = memref.load %arg3[%get3A_174, %get3A_175] : memref<8x128xf32, #tpu.memory_space<smem>>
      %mul3A_177 = vector.broadcast %get3A_176 : f32 to vector<256x256xf32>
      %mul3A_178 = arith.mulf %convert_element_type3A_167, %mul3A_177 : vector<256x256xf32>
      %add3A_179 = arith.addf %add3A_160, %mul3A_178 : vector<256x256xf32>
      %get3A_180 = arith.constant 0 : index
      %get3A_181 = arith.constant 8 : index
      %get3A_182 = memref.load %arg3[%get3A_180, %get3A_181] : memref<8x128xf32, #tpu.memory_space<smem>>
      %gt3A_183 = vector.broadcast %get3A_182 : f32 to vector<256x256xf32>
      %gt3A_184 = arith.cmpf ogt, %sub3A_41, %gt3A_183 : vector<256x256xf32>
      %convert_element_type3A_185 = arith.extui %gt3A_184 : vector<256x256xi1> to vector<256x256xi32>
      %convert_element_type3A_186 = arith.sitofp %convert_element_type3A_185 : vector<256x256xi32> to vector<256x256xf32>
      %get3A_187 = arith.constant 1 : index
      %get3A_188 = arith.constant 8 : index
      %get3A_189 = memref.load %arg3[%get3A_187, %get3A_188] : memref<8x128xf32, #tpu.memory_space<smem>>
      %mul3A_190 = vector.broadcast %get3A_189 : f32 to vector<256x256xf32>
      %mul3A_191 = arith.mulf %convert_element_type3A_186, %mul3A_190 : vector<256x256xf32>
      %add3A_192 = arith.addf %add3A_173, %mul3A_191 : vector<256x256xf32>
      %get3A_193 = arith.constant 2 : index
      %get3A_194 = arith.constant 8 : index
      %get3A_195 = memref.load %arg3[%get3A_193, %get3A_194] : memref<8x128xf32, #tpu.memory_space<smem>>
      %mul3A_196 = vector.broadcast %get3A_195 : f32 to vector<256x256xf32>
      %mul3A_197 = arith.mulf %convert_element_type3A_186, %mul3A_196 : vector<256x256xf32>
      %add3A_198 = arith.addf %add3A_179, %mul3A_197 : vector<256x256xf32>
      %get3A_199 = arith.constant 0 : index
      %get3A_200 = arith.constant 9 : index
      %get3A_201 = memref.load %arg3[%get3A_199, %get3A_200] : memref<8x128xf32, #tpu.memory_space<smem>>
      %gt3A_202 = vector.broadcast %get3A_201 : f32 to vector<256x256xf32>
      %gt3A_203 = arith.cmpf ogt, %sub3A_41, %gt3A_202 : vector<256x256xf32>
      %convert_element_type3A_204 = arith.extui %gt3A_203 : vector<256x256xi1> to vector<256x256xi32>
      %convert_element_type3A_205 = arith.sitofp %convert_element_type3A_204 : vector<256x256xi32> to vector<256x256xf32>
      %get3A_206 = arith.constant 1 : index
      %get3A_207 = arith.constant 9 : index
      %get3A_208 = memref.load %arg3[%get3A_206, %get3A_207] : memref<8x128xf32, #tpu.memory_space<smem>>
      %mul3A_209 = vector.broadcast %get3A_208 : f32 to vector<256x256xf32>
      %mul3A_210 = arith.mulf %convert_element_type3A_205, %mul3A_209 : vector<256x256xf32>
      %add3A_211 = arith.addf %add3A_192, %mul3A_210 : vector<256x256xf32>
      %get3A_212 = arith.constant 2 : index
      %get3A_213 = arith.constant 9 : index
      %get3A_214 = memref.load %arg3[%get3A_212, %get3A_213] : memref<8x128xf32, #tpu.memory_space<smem>>
      %mul3A_215 = vector.broadcast %get3A_214 : f32 to vector<256x256xf32>
      %mul3A_216 = arith.mulf %convert_element_type3A_205, %mul3A_215 : vector<256x256xf32>
      %add3A_217 = arith.addf %add3A_198, %mul3A_216 : vector<256x256xf32>
      %get3A_218 = arith.constant 0 : index
      %get3A_219 = arith.constant 10 : index
      %get3A_220 = memref.load %arg3[%get3A_218, %get3A_219] : memref<8x128xf32, #tpu.memory_space<smem>>
      %gt3A_221 = vector.broadcast %get3A_220 : f32 to vector<256x256xf32>
      %gt3A_222 = arith.cmpf ogt, %sub3A_41, %gt3A_221 : vector<256x256xf32>
      %convert_element_type3A_223 = arith.extui %gt3A_222 : vector<256x256xi1> to vector<256x256xi32>
      %convert_element_type3A_224 = arith.sitofp %convert_element_type3A_223 : vector<256x256xi32> to vector<256x256xf32>
      %get3A_225 = arith.constant 1 : index
      %get3A_226 = arith.constant 10 : index
      %get3A_227 = memref.load %arg3[%get3A_225, %get3A_226] : memref<8x128xf32, #tpu.memory_space<smem>>
      %mul3A_228 = vector.broadcast %get3A_227 : f32 to vector<256x256xf32>
      %mul3A_229 = arith.mulf %convert_element_type3A_224, %mul3A_228 : vector<256x256xf32>
      %add3A_230 = arith.addf %add3A_211, %mul3A_229 : vector<256x256xf32>
      %get3A_231 = arith.constant 2 : index
      %get3A_232 = arith.constant 10 : index
      %get3A_233 = memref.load %arg3[%get3A_231, %get3A_232] : memref<8x128xf32, #tpu.memory_space<smem>>
      %mul3A_234 = vector.broadcast %get3A_233 : f32 to vector<256x256xf32>
      %mul3A_235 = arith.mulf %convert_element_type3A_224, %mul3A_234 : vector<256x256xf32>
      %add3A_236 = arith.addf %add3A_217, %mul3A_235 : vector<256x256xf32>
      %get3A_237 = arith.constant 0 : index
      %get3A_238 = arith.constant 11 : index
      %get3A_239 = memref.load %arg3[%get3A_237, %get3A_238] : memref<8x128xf32, #tpu.memory_space<smem>>
      %gt3A_240 = vector.broadcast %get3A_239 : f32 to vector<256x256xf32>
      %gt3A_241 = arith.cmpf ogt, %sub3A_41, %gt3A_240 : vector<256x256xf32>
      %convert_element_type3A_242 = arith.extui %gt3A_241 : vector<256x256xi1> to vector<256x256xi32>
      %convert_element_type3A_243 = arith.sitofp %convert_element_type3A_242 : vector<256x256xi32> to vector<256x256xf32>
      %get3A_244 = arith.constant 1 : index
      %get3A_245 = arith.constant 11 : index
      %get3A_246 = memref.load %arg3[%get3A_244, %get3A_245] : memref<8x128xf32, #tpu.memory_space<smem>>
      %mul3A_247 = vector.broadcast %get3A_246 : f32 to vector<256x256xf32>
      %mul3A_248 = arith.mulf %convert_element_type3A_243, %mul3A_247 : vector<256x256xf32>
      %add3A_249 = arith.addf %add3A_230, %mul3A_248 : vector<256x256xf32>
      %get3A_250 = arith.constant 2 : index
      %get3A_251 = arith.constant 11 : index
      %get3A_252 = memref.load %arg3[%get3A_250, %get3A_251] : memref<8x128xf32, #tpu.memory_space<smem>>
      %mul3A_253 = vector.broadcast %get3A_252 : f32 to vector<256x256xf32>
      %mul3A_254 = arith.mulf %convert_element_type3A_243, %mul3A_253 : vector<256x256xf32>
      %add3A_255 = arith.addf %add3A_236, %mul3A_254 : vector<256x256xf32>
      %get3A_256 = arith.constant 0 : index
      %get3A_257 = arith.constant 12 : index
      %get3A_258 = memref.load %arg3[%get3A_256, %get3A_257] : memref<8x128xf32, #tpu.memory_space<smem>>
      %gt3A_259 = vector.broadcast %get3A_258 : f32 to vector<256x256xf32>
      %gt3A_260 = arith.cmpf ogt, %sub3A_41, %gt3A_259 : vector<256x256xf32>
      %convert_element_type3A_261 = arith.extui %gt3A_260 : vector<256x256xi1> to vector<256x256xi32>
      %convert_element_type3A_262 = arith.sitofp %convert_element_type3A_261 : vector<256x256xi32> to vector<256x256xf32>
      %get3A_263 = arith.constant 1 : index
      %get3A_264 = arith.constant 12 : index
      %get3A_265 = memref.load %arg3[%get3A_263, %get3A_264] : memref<8x128xf32, #tpu.memory_space<smem>>
      %mul3A_266 = vector.broadcast %get3A_265 : f32 to vector<256x256xf32>
      %mul3A_267 = arith.mulf %convert_element_type3A_262, %mul3A_266 : vector<256x256xf32>
      %add3A_268 = arith.addf %add3A_249, %mul3A_267 : vector<256x256xf32>
      %get3A_269 = arith.constant 2 : index
      %get3A_270 = arith.constant 12 : index
      %get3A_271 = memref.load %arg3[%get3A_269, %get3A_270] : memref<8x128xf32, #tpu.memory_space<smem>>
      %mul3A_272 = vector.broadcast %get3A_271 : f32 to vector<256x256xf32>
      %mul3A_273 = arith.mulf %convert_element_type3A_262, %mul3A_272 : vector<256x256xf32>
      %add3A_274 = arith.addf %add3A_255, %mul3A_273 : vector<256x256xf32>
      %get3A_275 = arith.constant 0 : index
      %get3A_276 = arith.constant 13 : index
      %get3A_277 = memref.load %arg3[%get3A_275, %get3A_276] : memref<8x128xf32, #tpu.memory_space<smem>>
      %gt3A_278 = vector.broadcast %get3A_277 : f32 to vector<256x256xf32>
      %gt3A_279 = arith.cmpf ogt, %sub3A_41, %gt3A_278 : vector<256x256xf32>
      %convert_element_type3A_280 = arith.extui %gt3A_279 : vector<256x256xi1> to vector<256x256xi32>
      %convert_element_type3A_281 = arith.sitofp %convert_element_type3A_280 : vector<256x256xi32> to vector<256x256xf32>
      %get3A_282 = arith.constant 1 : index
      %get3A_283 = arith.constant 13 : index
      %get3A_284 = memref.load %arg3[%get3A_282, %get3A_283] : memref<8x128xf32, #tpu.memory_space<smem>>
      %mul3A_285 = vector.broadcast %get3A_284 : f32 to vector<256x256xf32>
      %mul3A_286 = arith.mulf %convert_element_type3A_281, %mul3A_285 : vector<256x256xf32>
      %add3A_287 = arith.addf %add3A_268, %mul3A_286 : vector<256x256xf32>
      %get3A_288 = arith.constant 2 : index
      %get3A_289 = arith.constant 13 : index
      %get3A_290 = memref.load %arg3[%get3A_288, %get3A_289] : memref<8x128xf32, #tpu.memory_space<smem>>
      %mul3A_291 = vector.broadcast %get3A_290 : f32 to vector<256x256xf32>
      %mul3A_292 = arith.mulf %convert_element_type3A_281, %mul3A_291 : vector<256x256xf32>
      %add3A_293 = arith.addf %add3A_274, %mul3A_292 : vector<256x256xf32>
      %get3A_294 = arith.constant 0 : index
      %get3A_295 = arith.constant 14 : index
      %get3A_296 = memref.load %arg3[%get3A_294, %get3A_295] : memref<8x128xf32, #tpu.memory_space<smem>>
      %gt3A_297 = vector.broadcast %get3A_296 : f32 to vector<256x256xf32>
      %gt3A_298 = arith.cmpf ogt, %sub3A_41, %gt3A_297 : vector<256x256xf32>
      %convert_element_type3A_299 = arith.extui %gt3A_298 : vector<256x256xi1> to vector<256x256xi32>
      %convert_element_type3A_300 = arith.sitofp %convert_element_type3A_299 : vector<256x256xi32> to vector<256x256xf32>
      %get3A_301 = arith.constant 1 : index
      %get3A_302 = arith.constant 14 : index
      %get3A_303 = memref.load %arg3[%get3A_301, %get3A_302] : memref<8x128xf32, #tpu.memory_space<smem>>
      %mul3A_304 = vector.broadcast %get3A_303 : f32 to vector<256x256xf32>
      %mul3A_305 = arith.mulf %convert_element_type3A_300, %mul3A_304 : vector<256x256xf32>
      %add3A_306 = arith.addf %add3A_287, %mul3A_305 : vector<256x256xf32>
      %get3A_307 = arith.constant 2 : index
      %get3A_308 = arith.constant 14 : index
      %get3A_309 = memref.load %arg3[%get3A_307, %get3A_308] : memref<8x128xf32, #tpu.memory_space<smem>>
      %mul3A_310 = vector.broadcast %get3A_309 : f32 to vector<256x256xf32>
      %mul3A_311 = arith.mulf %convert_element_type3A_300, %mul3A_310 : vector<256x256xf32>
      %add3A_312 = arith.addf %add3A_293, %mul3A_311 : vector<256x256xf32>
      %get3A_313 = arith.constant 0 : index
      %get3A_314 = arith.constant 15 : index
      %get3A_315 = memref.load %arg3[%get3A_313, %get3A_314] : memref<8x128xf32, #tpu.memory_space<smem>>
      %gt3A_316 = vector.broadcast %get3A_315 : f32 to vector<256x256xf32>
      %gt3A_317 = arith.cmpf ogt, %sub3A_41, %gt3A_316 : vector<256x256xf32>
      %convert_element_type3A_318 = arith.extui %gt3A_317 : vector<256x256xi1> to vector<256x256xi32>
      %convert_element_type3A_319 = arith.sitofp %convert_element_type3A_318 : vector<256x256xi32> to vector<256x256xf32>
      %get3A_320 = arith.constant 1 : index
      %get3A_321 = arith.constant 15 : index
      %get3A_322 = memref.load %arg3[%get3A_320, %get3A_321] : memref<8x128xf32, #tpu.memory_space<smem>>
      %mul3A_323 = vector.broadcast %get3A_322 : f32 to vector<256x256xf32>
      %mul3A_324 = arith.mulf %convert_element_type3A_319, %mul3A_323 : vector<256x256xf32>
      %add3A_325 = arith.addf %add3A_306, %mul3A_324 : vector<256x256xf32>
      %get3A_326 = arith.constant 2 : index
      %get3A_327 = arith.constant 15 : index
      %get3A_328 = memref.load %arg3[%get3A_326, %get3A_327] : memref<8x128xf32, #tpu.memory_space<smem>>
      %mul3A_329 = vector.broadcast %get3A_328 : f32 to vector<256x256xf32>
      %mul3A_330 = arith.mulf %convert_element_type3A_319, %mul3A_329 : vector<256x256xf32>
      %add3A_331 = arith.addf %add3A_312, %mul3A_330 : vector<256x256xf32>
      %get3A_332 = arith.constant 0 : index
      %get3A_333 = arith.constant 16 : index
      %get3A_334 = memref.load %arg3[%get3A_332, %get3A_333] : memref<8x128xf32, #tpu.memory_space<smem>>
      %gt3A_335 = vector.broadcast %get3A_334 : f32 to vector<256x256xf32>
      %gt3A_336 = arith.cmpf ogt, %sub3A_41, %gt3A_335 : vector<256x256xf32>
      %convert_element_type3A_337 = arith.extui %gt3A_336 : vector<256x256xi1> to vector<256x256xi32>
      %convert_element_type3A_338 = arith.sitofp %convert_element_type3A_337 : vector<256x256xi32> to vector<256x256xf32>
      %get3A_339 = arith.constant 1 : index
      %get3A_340 = arith.constant 16 : index
      %get3A_341 = memref.load %arg3[%get3A_339, %get3A_340] : memref<8x128xf32, #tpu.memory_space<smem>>
      %mul3A_342 = vector.broadcast %get3A_341 : f32 to vector<256x256xf32>
      %mul3A_343 = arith.mulf %convert_element_type3A_338, %mul3A_342 : vector<256x256xf32>
      %add3A_344 = arith.addf %add3A_325, %mul3A_343 : vector<256x256xf32>
      %get3A_345 = arith.constant 2 : index
      %get3A_346 = arith.constant 16 : index
      %get3A_347 = memref.load %arg3[%get3A_345, %get3A_346] : memref<8x128xf32, #tpu.memory_space<smem>>
      %mul3A_348 = vector.broadcast %get3A_347 : f32 to vector<256x256xf32>
      %mul3A_349 = arith.mulf %convert_element_type3A_338, %mul3A_348 : vector<256x256xf32>
      %add3A_350 = arith.addf %add3A_331, %mul3A_349 : vector<256x256xf32>
      %get3A_351 = arith.constant 0 : index
      %get3A_352 = arith.constant 17 : index
      %get3A_353 = memref.load %arg3[%get3A_351, %get3A_352] : memref<8x128xf32, #tpu.memory_space<smem>>
      %gt3A_354 = vector.broadcast %get3A_353 : f32 to vector<256x256xf32>
      %gt3A_355 = arith.cmpf ogt, %sub3A_41, %gt3A_354 : vector<256x256xf32>
      %convert_element_type3A_356 = arith.extui %gt3A_355 : vector<256x256xi1> to vector<256x256xi32>
      %convert_element_type3A_357 = arith.sitofp %convert_element_type3A_356 : vector<256x256xi32> to vector<256x256xf32>
      %get3A_358 = arith.constant 1 : index
      %get3A_359 = arith.constant 17 : index
      %get3A_360 = memref.load %arg3[%get3A_358, %get3A_359] : memref<8x128xf32, #tpu.memory_space<smem>>
      %mul3A_361 = vector.broadcast %get3A_360 : f32 to vector<256x256xf32>
      %mul3A_362 = arith.mulf %convert_element_type3A_357, %mul3A_361 : vector<256x256xf32>
      %add3A_363 = arith.addf %add3A_344, %mul3A_362 : vector<256x256xf32>
      %get3A_364 = arith.constant 2 : index
      %get3A_365 = arith.constant 17 : index
      %get3A_366 = memref.load %arg3[%get3A_364, %get3A_365] : memref<8x128xf32, #tpu.memory_space<smem>>
      %mul3A_367 = vector.broadcast %get3A_366 : f32 to vector<256x256xf32>
      %mul3A_368 = arith.mulf %convert_element_type3A_357, %mul3A_367 : vector<256x256xf32>
      %add3A_369 = arith.addf %add3A_350, %mul3A_368 : vector<256x256xf32>
      %get3A_370 = arith.constant 0 : index
      %get3A_371 = arith.constant 18 : index
      %get3A_372 = memref.load %arg3[%get3A_370, %get3A_371] : memref<8x128xf32, #tpu.memory_space<smem>>
      %gt3A_373 = vector.broadcast %get3A_372 : f32 to vector<256x256xf32>
      %gt3A_374 = arith.cmpf ogt, %sub3A_41, %gt3A_373 : vector<256x256xf32>
      %convert_element_type3A_375 = arith.extui %gt3A_374 : vector<256x256xi1> to vector<256x256xi32>
      %convert_element_type3A_376 = arith.sitofp %convert_element_type3A_375 : vector<256x256xi32> to vector<256x256xf32>
      %get3A_377 = arith.constant 1 : index
      %get3A_378 = arith.constant 18 : index
      %get3A_379 = memref.load %arg3[%get3A_377, %get3A_378] : memref<8x128xf32, #tpu.memory_space<smem>>
      %mul3A_380 = vector.broadcast %get3A_379 : f32 to vector<256x256xf32>
      %mul3A_381 = arith.mulf %convert_element_type3A_376, %mul3A_380 : vector<256x256xf32>
      %add3A_382 = arith.addf %add3A_363, %mul3A_381 : vector<256x256xf32>
      %get3A_383 = arith.constant 2 : index
      %get3A_384 = arith.constant 18 : index
      %get3A_385 = memref.load %arg3[%get3A_383, %get3A_384] : memref<8x128xf32, #tpu.memory_space<smem>>
      %mul3A_386 = vector.broadcast %get3A_385 : f32 to vector<256x256xf32>
      %mul3A_387 = arith.mulf %convert_element_type3A_376, %mul3A_386 : vector<256x256xf32>
      %add3A_388 = arith.addf %add3A_369, %mul3A_387 : vector<256x256xf32>
      %get3A_389 = arith.constant 0 : index
      %get3A_390 = arith.constant 19 : index
      %get3A_391 = memref.load %arg3[%get3A_389, %get3A_390] : memref<8x128xf32, #tpu.memory_space<smem>>
      %gt3A_392 = vector.broadcast %get3A_391 : f32 to vector<256x256xf32>
      %gt3A_393 = arith.cmpf ogt, %sub3A_41, %gt3A_392 : vector<256x256xf32>
      %convert_element_type3A_394 = arith.extui %gt3A_393 : vector<256x256xi1> to vector<256x256xi32>
      %convert_element_type3A_395 = arith.sitofp %convert_element_type3A_394 : vector<256x256xi32> to vector<256x256xf32>
      %get3A_396 = arith.constant 1 : index
      %get3A_397 = arith.constant 19 : index
      %get3A_398 = memref.load %arg3[%get3A_396, %get3A_397] : memref<8x128xf32, #tpu.memory_space<smem>>
      %mul3A_399 = vector.broadcast %get3A_398 : f32 to vector<256x256xf32>
      %mul3A_400 = arith.mulf %convert_element_type3A_395, %mul3A_399 : vector<256x256xf32>
      %add3A_401 = arith.addf %add3A_382, %mul3A_400 : vector<256x256xf32>
      %get3A_402 = arith.constant 2 : index
      %get3A_403 = arith.constant 19 : index
      %get3A_404 = memref.load %arg3[%get3A_402, %get3A_403] : memref<8x128xf32, #tpu.memory_space<smem>>
      %mul3A_405 = vector.broadcast %get3A_404 : f32 to vector<256x256xf32>
      %mul3A_406 = arith.mulf %convert_element_type3A_395, %mul3A_405 : vector<256x256xf32>
      %add3A_407 = arith.addf %add3A_388, %mul3A_406 : vector<256x256xf32>
      %get3A_408 = arith.constant 0 : index
      %get3A_409 = arith.constant 20 : index
      %get3A_410 = memref.load %arg3[%get3A_408, %get3A_409] : memref<8x128xf32, #tpu.memory_space<smem>>
      %gt3A_411 = vector.broadcast %get3A_410 : f32 to vector<256x256xf32>
      %gt3A_412 = arith.cmpf ogt, %sub3A_41, %gt3A_411 : vector<256x256xf32>
      %convert_element_type3A_413 = arith.extui %gt3A_412 : vector<256x256xi1> to vector<256x256xi32>
      %convert_element_type3A_414 = arith.sitofp %convert_element_type3A_413 : vector<256x256xi32> to vector<256x256xf32>
      %get3A_415 = arith.constant 1 : index
      %get3A_416 = arith.constant 20 : index
      %get3A_417 = memref.load %arg3[%get3A_415, %get3A_416] : memref<8x128xf32, #tpu.memory_space<smem>>
      %mul3A_418 = vector.broadcast %get3A_417 : f32 to vector<256x256xf32>
      %mul3A_419 = arith.mulf %convert_element_type3A_414, %mul3A_418 : vector<256x256xf32>
      %add3A_420 = arith.addf %add3A_401, %mul3A_419 : vector<256x256xf32>
      %get3A_421 = arith.constant 2 : index
      %get3A_422 = arith.constant 20 : index
      %get3A_423 = memref.load %arg3[%get3A_421, %get3A_422] : memref<8x128xf32, #tpu.memory_space<smem>>
      %mul3A_424 = vector.broadcast %get3A_423 : f32 to vector<256x256xf32>
      %mul3A_425 = arith.mulf %convert_element_type3A_414, %mul3A_424 : vector<256x256xf32>
      %add3A_426 = arith.addf %add3A_407, %mul3A_425 : vector<256x256xf32>
      %get3A_427 = arith.constant 0 : index
      %get3A_428 = arith.constant 21 : index
      %get3A_429 = memref.load %arg3[%get3A_427, %get3A_428] : memref<8x128xf32, #tpu.memory_space<smem>>
      %gt3A_430 = vector.broadcast %get3A_429 : f32 to vector<256x256xf32>
      %gt3A_431 = arith.cmpf ogt, %sub3A_41, %gt3A_430 : vector<256x256xf32>
      %convert_element_type3A_432 = arith.extui %gt3A_431 : vector<256x256xi1> to vector<256x256xi32>
      %convert_element_type3A_433 = arith.sitofp %convert_element_type3A_432 : vector<256x256xi32> to vector<256x256xf32>
      %get3A_434 = arith.constant 1 : index
      %get3A_435 = arith.constant 21 : index
      %get3A_436 = memref.load %arg3[%get3A_434, %get3A_435] : memref<8x128xf32, #tpu.memory_space<smem>>
      %mul3A_437 = vector.broadcast %get3A_436 : f32 to vector<256x256xf32>
      %mul3A_438 = arith.mulf %convert_element_type3A_433, %mul3A_437 : vector<256x256xf32>
      %add3A_439 = arith.addf %add3A_420, %mul3A_438 : vector<256x256xf32>
      %get3A_440 = arith.constant 2 : index
      %get3A_441 = arith.constant 21 : index
      %get3A_442 = memref.load %arg3[%get3A_440, %get3A_441] : memref<8x128xf32, #tpu.memory_space<smem>>
      %mul3A_443 = vector.broadcast %get3A_442 : f32 to vector<256x256xf32>
      %mul3A_444 = arith.mulf %convert_element_type3A_433, %mul3A_443 : vector<256x256xf32>
      %add3A_445 = arith.addf %add3A_426, %mul3A_444 : vector<256x256xf32>
      %get3A_446 = arith.constant 0 : index
      %get3A_447 = arith.constant 22 : index
      %get3A_448 = memref.load %arg3[%get3A_446, %get3A_447] : memref<8x128xf32, #tpu.memory_space<smem>>
      %gt3A_449 = vector.broadcast %get3A_448 : f32 to vector<256x256xf32>
      %gt3A_450 = arith.cmpf ogt, %sub3A_41, %gt3A_449 : vector<256x256xf32>
      %convert_element_type3A_451 = arith.extui %gt3A_450 : vector<256x256xi1> to vector<256x256xi32>
      %convert_element_type3A_452 = arith.sitofp %convert_element_type3A_451 : vector<256x256xi32> to vector<256x256xf32>
      %get3A_453 = arith.constant 1 : index
      %get3A_454 = arith.constant 22 : index
      %get3A_455 = memref.load %arg3[%get3A_453, %get3A_454] : memref<8x128xf32, #tpu.memory_space<smem>>
      %mul3A_456 = vector.broadcast %get3A_455 : f32 to vector<256x256xf32>
      %mul3A_457 = arith.mulf %convert_element_type3A_452, %mul3A_456 : vector<256x256xf32>
      %add3A_458 = arith.addf %add3A_439, %mul3A_457 : vector<256x256xf32>
      %get3A_459 = arith.constant 2 : index
      %get3A_460 = arith.constant 22 : index
      %get3A_461 = memref.load %arg3[%get3A_459, %get3A_460] : memref<8x128xf32, #tpu.memory_space<smem>>
      %mul3A_462 = vector.broadcast %get3A_461 : f32 to vector<256x256xf32>
      %mul3A_463 = arith.mulf %convert_element_type3A_452, %mul3A_462 : vector<256x256xf32>
      %add3A_464 = arith.addf %add3A_445, %mul3A_463 : vector<256x256xf32>
      %get3A_465 = arith.constant 0 : index
      %get3A_466 = arith.constant 23 : index
      %get3A_467 = memref.load %arg3[%get3A_465, %get3A_466] : memref<8x128xf32, #tpu.memory_space<smem>>
      %gt3A_468 = vector.broadcast %get3A_467 : f32 to vector<256x256xf32>
      %gt3A_469 = arith.cmpf ogt, %sub3A_41, %gt3A_468 : vector<256x256xf32>
      %convert_element_type3A_470 = arith.extui %gt3A_469 : vector<256x256xi1> to vector<256x256xi32>
      %convert_element_type3A_471 = arith.sitofp %convert_element_type3A_470 : vector<256x256xi32> to vector<256x256xf32>
      %get3A_472 = arith.constant 1 : index
      %get3A_473 = arith.constant 23 : index
      %get3A_474 = memref.load %arg3[%get3A_472, %get3A_473] : memref<8x128xf32, #tpu.memory_space<smem>>
      %mul3A_475 = vector.broadcast %get3A_474 : f32 to vector<256x256xf32>
      %mul3A_476 = arith.mulf %convert_element_type3A_471, %mul3A_475 : vector<256x256xf32>
      %add3A_477 = arith.addf %add3A_458, %mul3A_476 : vector<256x256xf32>
      %get3A_478 = arith.constant 2 : index
      %get3A_479 = arith.constant 23 : index
      %get3A_480 = memref.load %arg3[%get3A_478, %get3A_479] : memref<8x128xf32, #tpu.memory_space<smem>>
      %mul3A_481 = vector.broadcast %get3A_480 : f32 to vector<256x256xf32>
      %mul3A_482 = arith.mulf %convert_element_type3A_471, %mul3A_481 : vector<256x256xf32>
      %add3A_483 = arith.addf %add3A_464, %mul3A_482 : vector<256x256xf32>
      %get3A_484 = arith.constant 0 : index
      %get3A_485 = arith.constant 24 : index
      %get3A_486 = memref.load %arg3[%get3A_484, %get3A_485] : memref<8x128xf32, #tpu.memory_space<smem>>
      %gt3A_487 = vector.broadcast %get3A_486 : f32 to vector<256x256xf32>
      %gt3A_488 = arith.cmpf ogt, %sub3A_41, %gt3A_487 : vector<256x256xf32>
      %convert_element_type3A_489 = arith.extui %gt3A_488 : vector<256x256xi1> to vector<256x256xi32>
      %convert_element_type3A_490 = arith.sitofp %convert_element_type3A_489 : vector<256x256xi32> to vector<256x256xf32>
      %get3A_491 = arith.constant 1 : index
      %get3A_492 = arith.constant 24 : index
      %get3A_493 = memref.load %arg3[%get3A_491, %get3A_492] : memref<8x128xf32, #tpu.memory_space<smem>>
      %mul3A_494 = vector.broadcast %get3A_493 : f32 to vector<256x256xf32>
      %mul3A_495 = arith.mulf %convert_element_type3A_490, %mul3A_494 : vector<256x256xf32>
      %add3A_496 = arith.addf %add3A_477, %mul3A_495 : vector<256x256xf32>
      %get3A_497 = arith.constant 2 : index
      %get3A_498 = arith.constant 24 : index
      %get3A_499 = memref.load %arg3[%get3A_497, %get3A_498] : memref<8x128xf32, #tpu.memory_space<smem>>
      %mul3A_500 = vector.broadcast %get3A_499 : f32 to vector<256x256xf32>
      %mul3A_501 = arith.mulf %convert_element_type3A_490, %mul3A_500 : vector<256x256xf32>
      %add3A_502 = arith.addf %add3A_483, %mul3A_501 : vector<256x256xf32>
      %get3A_503 = arith.constant 0 : index
      %get3A_504 = arith.constant 25 : index
      %get3A_505 = memref.load %arg3[%get3A_503, %get3A_504] : memref<8x128xf32, #tpu.memory_space<smem>>
      %gt3A_506 = vector.broadcast %get3A_505 : f32 to vector<256x256xf32>
      %gt3A_507 = arith.cmpf ogt, %sub3A_41, %gt3A_506 : vector<256x256xf32>
      %convert_element_type3A_508 = arith.extui %gt3A_507 : vector<256x256xi1> to vector<256x256xi32>
      %convert_element_type3A_509 = arith.sitofp %convert_element_type3A_508 : vector<256x256xi32> to vector<256x256xf32>
      %get3A_510 = arith.constant 1 : index
      %get3A_511 = arith.constant 25 : index
      %get3A_512 = memref.load %arg3[%get3A_510, %get3A_511] : memref<8x128xf32, #tpu.memory_space<smem>>
      %mul3A_513 = vector.broadcast %get3A_512 : f32 to vector<256x256xf32>
      %mul3A_514 = arith.mulf %convert_element_type3A_509, %mul3A_513 : vector<256x256xf32>
      %add3A_515 = arith.addf %add3A_496, %mul3A_514 : vector<256x256xf32>
      %get3A_516 = arith.constant 2 : index
      %get3A_517 = arith.constant 25 : index
      %get3A_518 = memref.load %arg3[%get3A_516, %get3A_517] : memref<8x128xf32, #tpu.memory_space<smem>>
      %mul3A_519 = vector.broadcast %get3A_518 : f32 to vector<256x256xf32>
      %mul3A_520 = arith.mulf %convert_element_type3A_509, %mul3A_519 : vector<256x256xf32>
      %add3A_521 = arith.addf %add3A_502, %mul3A_520 : vector<256x256xf32>
      %get3A_522 = arith.constant 0 : index
      %get3A_523 = arith.constant 26 : index
      %get3A_524 = memref.load %arg3[%get3A_522, %get3A_523] : memref<8x128xf32, #tpu.memory_space<smem>>
      %gt3A_525 = vector.broadcast %get3A_524 : f32 to vector<256x256xf32>
      %gt3A_526 = arith.cmpf ogt, %sub3A_41, %gt3A_525 : vector<256x256xf32>
      %convert_element_type3A_527 = arith.extui %gt3A_526 : vector<256x256xi1> to vector<256x256xi32>
      %convert_element_type3A_528 = arith.sitofp %convert_element_type3A_527 : vector<256x256xi32> to vector<256x256xf32>
      %get3A_529 = arith.constant 1 : index
      %get3A_530 = arith.constant 26 : index
      %get3A_531 = memref.load %arg3[%get3A_529, %get3A_530] : memref<8x128xf32, #tpu.memory_space<smem>>
      %mul3A_532 = vector.broadcast %get3A_531 : f32 to vector<256x256xf32>
      %mul3A_533 = arith.mulf %convert_element_type3A_528, %mul3A_532 : vector<256x256xf32>
      %add3A_534 = arith.addf %add3A_515, %mul3A_533 : vector<256x256xf32>
      %get3A_535 = arith.constant 2 : index
      %get3A_536 = arith.constant 26 : index
      %get3A_537 = memref.load %arg3[%get3A_535, %get3A_536] : memref<8x128xf32, #tpu.memory_space<smem>>
      %mul3A_538 = vector.broadcast %get3A_537 : f32 to vector<256x256xf32>
      %mul3A_539 = arith.mulf %convert_element_type3A_528, %mul3A_538 : vector<256x256xf32>
      %add3A_540 = arith.addf %add3A_521, %mul3A_539 : vector<256x256xf32>
      %get3A_541 = arith.constant 0 : index
      %get3A_542 = arith.constant 27 : index
      %get3A_543 = memref.load %arg3[%get3A_541, %get3A_542] : memref<8x128xf32, #tpu.memory_space<smem>>
      %gt3A_544 = vector.broadcast %get3A_543 : f32 to vector<256x256xf32>
      %gt3A_545 = arith.cmpf ogt, %sub3A_41, %gt3A_544 : vector<256x256xf32>
      %convert_element_type3A_546 = arith.extui %gt3A_545 : vector<256x256xi1> to vector<256x256xi32>
      %convert_element_type3A_547 = arith.sitofp %convert_element_type3A_546 : vector<256x256xi32> to vector<256x256xf32>
      %get3A_548 = arith.constant 1 : index
      %get3A_549 = arith.constant 27 : index
      %get3A_550 = memref.load %arg3[%get3A_548, %get3A_549] : memref<8x128xf32, #tpu.memory_space<smem>>
      %mul3A_551 = vector.broadcast %get3A_550 : f32 to vector<256x256xf32>
      %mul3A_552 = arith.mulf %convert_element_type3A_547, %mul3A_551 : vector<256x256xf32>
      %add3A_553 = arith.addf %add3A_534, %mul3A_552 : vector<256x256xf32>
      %get3A_554 = arith.constant 2 : index
      %get3A_555 = arith.constant 27 : index
      %get3A_556 = memref.load %arg3[%get3A_554, %get3A_555] : memref<8x128xf32, #tpu.memory_space<smem>>
      %mul3A_557 = vector.broadcast %get3A_556 : f32 to vector<256x256xf32>
      %mul3A_558 = arith.mulf %convert_element_type3A_547, %mul3A_557 : vector<256x256xf32>
      %add3A_559 = arith.addf %add3A_540, %mul3A_558 : vector<256x256xf32>
      %get3A_560 = arith.constant 0 : index
      %get3A_561 = arith.constant 28 : index
      %get3A_562 = memref.load %arg3[%get3A_560, %get3A_561] : memref<8x128xf32, #tpu.memory_space<smem>>
      %gt3A_563 = vector.broadcast %get3A_562 : f32 to vector<256x256xf32>
      %gt3A_564 = arith.cmpf ogt, %sub3A_41, %gt3A_563 : vector<256x256xf32>
      %convert_element_type3A_565 = arith.extui %gt3A_564 : vector<256x256xi1> to vector<256x256xi32>
      %convert_element_type3A_566 = arith.sitofp %convert_element_type3A_565 : vector<256x256xi32> to vector<256x256xf32>
      %get3A_567 = arith.constant 1 : index
      %get3A_568 = arith.constant 28 : index
      %get3A_569 = memref.load %arg3[%get3A_567, %get3A_568] : memref<8x128xf32, #tpu.memory_space<smem>>
      %mul3A_570 = vector.broadcast %get3A_569 : f32 to vector<256x256xf32>
      %mul3A_571 = arith.mulf %convert_element_type3A_566, %mul3A_570 : vector<256x256xf32>
      %add3A_572 = arith.addf %add3A_553, %mul3A_571 : vector<256x256xf32>
      %get3A_573 = arith.constant 2 : index
      %get3A_574 = arith.constant 28 : index
      %get3A_575 = memref.load %arg3[%get3A_573, %get3A_574] : memref<8x128xf32, #tpu.memory_space<smem>>
      %mul3A_576 = vector.broadcast %get3A_575 : f32 to vector<256x256xf32>
      %mul3A_577 = arith.mulf %convert_element_type3A_566, %mul3A_576 : vector<256x256xf32>
      %add3A_578 = arith.addf %add3A_559, %mul3A_577 : vector<256x256xf32>
      %get3A_579 = arith.constant 0 : index
      %get3A_580 = arith.constant 29 : index
      %get3A_581 = memref.load %arg3[%get3A_579, %get3A_580] : memref<8x128xf32, #tpu.memory_space<smem>>
      %gt3A_582 = vector.broadcast %get3A_581 : f32 to vector<256x256xf32>
      %gt3A_583 = arith.cmpf ogt, %sub3A_41, %gt3A_582 : vector<256x256xf32>
      %convert_element_type3A_584 = arith.extui %gt3A_583 : vector<256x256xi1> to vector<256x256xi32>
      %convert_element_type3A_585 = arith.sitofp %convert_element_type3A_584 : vector<256x256xi32> to vector<256x256xf32>
      %get3A_586 = arith.constant 1 : index
      %get3A_587 = arith.constant 29 : index
      %get3A_588 = memref.load %arg3[%get3A_586, %get3A_587] : memref<8x128xf32, #tpu.memory_space<smem>>
      %mul3A_589 = vector.broadcast %get3A_588 : f32 to vector<256x256xf32>
      %mul3A_590 = arith.mulf %convert_element_type3A_585, %mul3A_589 : vector<256x256xf32>
      %add3A_591 = arith.addf %add3A_572, %mul3A_590 : vector<256x256xf32>
      %get3A_592 = arith.constant 2 : index
      %get3A_593 = arith.constant 29 : index
      %get3A_594 = memref.load %arg3[%get3A_592, %get3A_593] : memref<8x128xf32, #tpu.memory_space<smem>>
      %mul3A_595 = vector.broadcast %get3A_594 : f32 to vector<256x256xf32>
      %mul3A_596 = arith.mulf %convert_element_type3A_585, %mul3A_595 : vector<256x256xf32>
      %add3A_597 = arith.addf %add3A_578, %mul3A_596 : vector<256x256xf32>
      %get3A_598 = arith.constant 0 : index
      %get3A_599 = arith.constant 30 : index
      %get3A_600 = memref.load %arg3[%get3A_598, %get3A_599] : memref<8x128xf32, #tpu.memory_space<smem>>
      %gt3A_601 = vector.broadcast %get3A_600 : f32 to vector<256x256xf32>
      %gt3A_602 = arith.cmpf ogt, %sub3A_41, %gt3A_601 : vector<256x256xf32>
      %convert_element_type3A_603 = arith.extui %gt3A_602 : vector<256x256xi1> to vector<256x256xi32>
      %convert_element_type3A_604 = arith.sitofp %convert_element_type3A_603 : vector<256x256xi32> to vector<256x256xf32>
      %get3A_605 = arith.constant 1 : index
      %get3A_606 = arith.constant 30 : index
      %get3A_607 = memref.load %arg3[%get3A_605, %get3A_606] : memref<8x128xf32, #tpu.memory_space<smem>>
      %mul3A_608 = vector.broadcast %get3A_607 : f32 to vector<256x256xf32>
      %mul3A_609 = arith.mulf %convert_element_type3A_604, %mul3A_608 : vector<256x256xf32>
      %add3A_610 = arith.addf %add3A_591, %mul3A_609 : vector<256x256xf32>
      %get3A_611 = arith.constant 2 : index
      %get3A_612 = arith.constant 30 : index
      %get3A_613 = memref.load %arg3[%get3A_611, %get3A_612] : memref<8x128xf32, #tpu.memory_space<smem>>
      %mul3A_614 = vector.broadcast %get3A_613 : f32 to vector<256x256xf32>
      %mul3A_615 = arith.mulf %convert_element_type3A_604, %mul3A_614 : vector<256x256xf32>
      %add3A_616 = arith.addf %add3A_597, %mul3A_615 : vector<256x256xf32>
      %get3A_617 = arith.constant 0 : index
      %get3A_618 = arith.constant 31 : index
      %get3A_619 = memref.load %arg3[%get3A_617, %get3A_618] : memref<8x128xf32, #tpu.memory_space<smem>>
      %gt3A_620 = vector.broadcast %get3A_619 : f32 to vector<256x256xf32>
      %gt3A_621 = arith.cmpf ogt, %sub3A_41, %gt3A_620 : vector<256x256xf32>
      %convert_element_type3A_622 = arith.extui %gt3A_621 : vector<256x256xi1> to vector<256x256xi32>
      %convert_element_type3A_623 = arith.sitofp %convert_element_type3A_622 : vector<256x256xi32> to vector<256x256xf32>
      %get3A_624 = arith.constant 1 : index
      %get3A_625 = arith.constant 31 : index
      %get3A_626 = memref.load %arg3[%get3A_624, %get3A_625] : memref<8x128xf32, #tpu.memory_space<smem>>
      %mul3A_627 = vector.broadcast %get3A_626 : f32 to vector<256x256xf32>
      %mul3A_628 = arith.mulf %convert_element_type3A_623, %mul3A_627 : vector<256x256xf32>
      %add3A_629 = arith.addf %add3A_610, %mul3A_628 : vector<256x256xf32>
      %get3A_630 = arith.constant 2 : index
      %get3A_631 = arith.constant 31 : index
      %get3A_632 = memref.load %arg3[%get3A_630, %get3A_631] : memref<8x128xf32, #tpu.memory_space<smem>>
      %mul3A_633 = vector.broadcast %get3A_632 : f32 to vector<256x256xf32>
      %mul3A_634 = arith.mulf %convert_element_type3A_623, %mul3A_633 : vector<256x256xf32>
      %add3A_635 = arith.addf %add3A_616, %mul3A_634 : vector<256x256xf32>
      %mul3A_636 = arith.mulf %add3A_629, %sub3A_41 : vector<256x256xf32>
      %add3A_637 = arith.addf %mul3A_636, %add3A_635 : vector<256x256xf32>
      %lt3A = vector.broadcast %get3A_11 : f32 to vector<256x256xf32>
      %lt3A_638 = arith.cmpf olt, %sub3A_41, %lt3A : vector<256x256xf32>
      %gt3A_639 = vector.broadcast %get3A_14 : f32 to vector<256x256xf32>
      %gt3A_640 = arith.cmpf ogt, %sub3A_41, %gt3A_639 : vector<256x256xf32>
      %or3A = arith.ori %lt3A_638, %gt3A_640 : vector<256x256xi1>
      %jit3A = arith.constant 0.000000e+00 : f32
      %broadcast_in_dim3A_641 = vector.broadcast %jit3A : f32 to vector<256x256xf32>
      %select_n3A = arith.select %or3A, %broadcast_in_dim3A_641, %add3A_637 : vector<256x256xi1>, vector<256x256xf32>
      %swap3A = arith.constant 0 : index
      %swap3A_642 = arith.constant 0 : index
      %swap3A_643 = arith.constant 0 : index
      %swap3A_644 = vector.load %arg6[%swap3A, %swap3A_642, %swap3A_643] : memref<1x256x256xf32, #tpu.memory_space<vmem>>, vector<1x256x256xf32>
      %swap3A_645 = vector.shape_cast %swap3A_644 : vector<1x256x256xf32> to vector<256x256xf32>
      %swap3A_646 = vector.shape_cast %select_n3A : vector<256x256xf32> to vector<1x256x256xf32>
      tpu.vector_store %arg6[%swap3A, %swap3A_642, %swap3A_643], %swap3A_646 {strides = array<i32>} : memref<1x256x256xf32, #tpu.memory_space<vmem>>, vector<1x256x256xf32>,
    } else {
    }
    %not3A = arith.constant true
    %not3A_35 = arith.xori %and3A, %not3A : i1
    %convert_element_type3A_36 = arith.extui %not3A_35 : i1 to i32
    %cond3A_37 = arith.constant 0 : i32
    %cond3A_38 = arith.cmpi ne, %convert_element_type3A_36, %cond3A_37 : i32
    scf.if %cond3A_38 {
      %broadcast_in_dim3A = arith.constant 0.000000e+00 : f32
      %broadcast_in_dim3A_39 = vector.broadcast %broadcast_in_dim3A : f32 to vector<256x256xf32>
      %swap3A = arith.constant 0 : index
      %swap3A_40 = arith.constant 0 : index
      %swap3A_41 = arith.constant 0 : index
      %swap3A_42 = vector.load %arg6[%swap3A, %swap3A_40, %swap3A_41] : memref<1x256x256xf32, #tpu.memory_space<vmem>>, vector<1x256x256xf32>
      %swap3A_43 = vector.shape_cast %swap3A_42 : vector<1x256x256xf32> to vector<256x256xf32>
      %swap3A_44 = vector.shape_cast %broadcast_in_dim3A_39 : vector<256x256xf32> to vector<1x256x256xf32>
      tpu.vector_store %arg6[%swap3A, %swap3A_40, %swap3A_41], %swap3A_44 {strides = array<i32>} : memref<1x256x256xf32, #tpu.memory_space<vmem>>, vector<1x256x256xf32>,
    } else {
    }
    return
  }
  func.func @transform_0(%arg0: i32, %arg1: i32, %arg2: i32) -> (i32, i32) {
    %c0_i32 = arith.constant 0 : i32
    %c0_i32_0 = arith.constant 0 : i32
    %c0_i32_1 = arith.constant 0 : i32
    return %c0_i32, %c0_i32_0 : i32, i32
  }
  func.func @transform_1(%arg0: i32, %arg1: i32, %arg2: i32) -> (i32, i32, i32) {
    %c0_i32 = arith.constant 0 : i32
    %c0_i32_0 = arith.constant 0 : i32
    return %arg0, %c0_i32, %arg1 : i32, i32, i32
  }
  func.func @transform_2(%arg0: i32, %arg1: i32, %arg2: i32) -> (i32, i32, i32) {
    %c0_i32 = arith.constant 0 : i32
    %c0_i32_0 = arith.constant 0 : i32
    return %arg0, %c0_i32, %arg2 : i32, i32, i32
  }
  func.func @transform_3(%arg0: i32, %arg1: i32, %arg2: i32) -> (i32, i32, i32) {
    %c0_i32 = arith.constant 0 : i32
    return %arg0, %arg1, %arg2 : i32, i32, i32
  }
}

</mosaic_0001>

<sc_bundles>
// kernel: sparse-core-data-format-call.cloned.1.call-start
scs
called_computation_lowered:
.L_overlay_start_0:
0x0: {  	s2 =	sld [smem:$0x3FD9]  }
0x1: {  	s3 =	sld [smem:$0x3FFE];
	_ =	sdelay $0x1  }
0x2: {  	s1 =	srdreg.scid  }
0x3: {  	s0 =	sand.u32 $0x1, s1  }
0x4: {  	s18 =	sshll.u32 s0, $0xA;
	s2 =	sadd.s32 s3, s2  }
0x5: {  	s2 =	sadd.s32 s2, s18  }
0x6: {  	[smem:$0x3FC4] =	sst s2  }
0x7: {  	_ = 	snop  }
0x8: {  	s2 =	sld [smem:$0x3FD0];
	(tm) =	ssettm $0x1  }
0x9: {  	s19 =	sld [smem:$0x3FFB];
	_ =	sdelay $0x3  }
0xa: {  	_ =	strace s19  }
0xb: {  	s3 =	sld [smem:$0x3FFC];
	_ =	sdelay $0x3  }
0xc: {  	_ =	strace s3  }
0xd: {  	s3 =	sld [smem:$0x3FFD];
	_ =	sdelay $0x3  }
0xe: {  	_ =	strace s3  }
0xf: {  	_ =	strace $0x8FFFFFFF  }
0x10: {  	s20 =	sld [smem:$0x3FDB];
	_ =	sdelay $0x1  }
0x11: {  	s4 =	simm.s32 $_scs_section_size  }
0x12: {  	s5 =	simm.s32 $_size__tile_overlayer_lowered;
	s6 =	simm.s32 $_tile_overlayer_lowered  }
0x13: {  	s23 =	simm.s32 $0x1BFF;
	s22 =	sshll.u32 s6, $0x1;
	s3 =	sadd.s32 s4, s20  }
0x14: {  	s7 =	simm.s32 $0x0;
	s21 =	sshll.u32 s5, $0x1;
	s5 =	sadd.s32 s22, s3  }
0x15: {  	[timem:s7], [sflag:s23] =	dma.local [hbm:s5], s21  }
0x16: {  	_ =	swait.ge [sflag:s23], s21  }
0x17: {  	s4 =	ssub.s32 $0x0, s21;
	[sflag:s23] =	ssyncset.done $0x0  }
0x18: {  	[sflag:s23] =	ssyncadd.s32 s4;
	_ =	sdelay $0x1  }
0x19: {  	s24 =	simm.s32 $0x1B8B  }
0x1a: {  	_ =	swait.ge [sflag:s24], $0x1  }
0x1b: {  	[sflag:s24] =	ssyncset.done $0x0  }
0x1c: {  	s26 =	simm.s32 $0x1B8E;
	s25 =	sld [smem:$0x3FFE];
	[sflag:s24] =	ssyncadd.s32 $0xFFFFFFFF  }
0x1d: {  	s27 =	simm.s32 $execute0_lowered;
	[smem:$0x3FD2] =	sst s26  }
0x1e: {  	s5 =	sshll.u32 s27, $0x1;
	_ =	strace $0x80000046;
	[dreg:$0x1] =	wrdreg $0xFFFFFFFF  }
0x1f: {  	s28 =	simm.s32 $_size_execute0_lowered;
	s3 =	sadd.s32 s3, s5;
	[dreg:$0x0] =	wrdreg $0x0  }
0x20: {  	s5 =	sshll.u32 s28, $0x1;
	[dreg:$0x2] =	wrdreg s3  }
0x21: {  	[dreg:$0x3] =	wrdreg s5  }
0x22: {  	[dreg:$0x4] =	wrdreg $0xC0  }
0x23: {  	_ =	task [dreg:s7], $0x5FFFF  }
0x24: {  	[dreg:$0x1] =	wrdreg $0xFFFFFFFF  }
0x25: {  	[dreg:$0x0] =	wrdreg $0x60  }
0x26: {  	[dreg:$0x2] =	wrdreg s25  }
0x27: {  	[dreg:$0x3] =	wrdreg s2  }
0x28: {  	[dreg:$0x4] =	wrdreg $0x9  }
0x29: {  	_ =	task.clear_ibuf [dreg:s7], $0x5FFFF;
	_ =	strace $0x90000046  }
0x2a: {  	s29 =	simm.s32 $0x9;
	_ =	strace $0x80000048  }
0x2b: {  	_ =	swait.ge [sflag:s29], $0x1  }
0x2c: {  	[sflag:s29] =	ssyncadd.s32 $0xFFFFFFFF  }
0x2d: {  	_ =	strace $0x90000048  }
0x2e: {  	_ =	sfence  }
0x2f: {  	s30 =	sld [smem:$0x0];
	_ =	sdelay $0x2  }
0x30: {  	s31 =	sshll.u32 s1, $0xD;
	s1 =	sshrl.u32 s1, $0x2  }
0x31: {  	s3 =	sand.u32 $0x4000, s31;
	s1 =	sadd.s32 s1, s30  }
0x32: {  	s0 =	sor.u32 s3, s0;
	s1 =	sshll.u32 s1, $0x11  }
0x33: {  	s0 =	sor.u32 s1, s0  }
0x34: {  	s0 =	sadd.s32 $0x8F2B, s0  }
0x35: {  	[sflag:s0] =	ssyncadd.remote.s32 $0x1  }
0x36: {  	_ =	sfence.sel $0xFFFF  }
0x37: {  	[dreg:$0x0] =	wrdreg $0xFFFFFFFF;
	(pc) =	sbr.abs _section_cstart, $3  }
0x38: {  	[dreg:$0x1] =	wrdreg $0xFFFFFFFF  }
0x39: {  	_ =	task.clear_ibuf [dreg:s7], $0x2FFFF;
	_ =	strace $0x9FFFFFFF  }
0x3a: {  	(tm) =	ssettm $0x7FFFFFFF  }
0x3b: {  	_ =	shalt  }
tec
execute0_lowered:
.L_overlay_start_1:
0x0: {  	(tag) =	ssettag $0x1  }
0x1: {  	s0 =	stileid.u32;
	s4 =	rddreg [dreg:$0x0]  }
0x2: {  	s1 =	srdreg.scid;
	s3 =	rddreg [dreg:$0x1];
	s7 =	simm.s32 $0x1  }
0x3: {  	s31 =	simm.s32 $0x2;
	s18 =	simm.s32 $0x0;
	s9 =	simm.s32 $0x2000  }
0x4: {  	s17 =	simm.s32 $0x0;
	s2 =	sshll.u32 s0, $0x4;
	s1 =	sshll.u32 s1, $0x8  }
0x5: {  	s19 =	simm.s32 $0x0;
	s10 =	simm.s32 $0x0;
	s1 =	sor.u32 s2, s1  }
0x6: {  	s11 =	simm.s32 $0x0;
	s12 =	simm.s32 $0x0;
	s2 =	sand.u32 $0x180, s1  }
0x7: {  	s13 =	simm.s32 $0x0;
	s16 =	simm.s32 $0x0;
	s5 =	ssub.s32 $0x400, s2  }
0x8: {  	s4 =	sadd.s32 $0xE00, s4;
	s1 =	rddreg [dreg:$0x2];
	s6 =	sand.u32 $0x180, s5  }
.Ltmp0:
0x9: {  	_ =	strace $0x80000047;
	p0 =	sne.s32 s6, $0x0;
	(pc) =	sbr.rel .LBB1_1-.Ltmp0, $4  }
0xa: {  	s14 =	smov.u32 s2;
	s8 =	sshrl.u32 s5, $0x9;
	s7 =	simm.s32 @!p0 $0x0  }
0xb: {  	s5 =	sand.u32 $0x7, s0;
	s6 =	simm.s32 $0x1;
	s7 =	sadd.s32 s7, s8  }
0xc: {  	s15 =	smov.u32 s5;
	[sflag:s6] =	ssyncpa.u1 $0x0;
	s7 =	sshll.u32 s7, $0x3  }
0xd: {  	p0 =	por $0x0, $0x0;
	[sflag:s31] =	ssyncpa.u1 $0x0;
	s8 =	sor.u32 $0x1, s7  }
.LBB1_4:
0xe: {  	s24 =	sshra.s32 s24, $0x2;
	p1 =	sgt.s32 s10, $0x37F;
	s25 =	smov.u32 s12  }
0xf: {  	s26 =	sshra.s32 s12, $0x1F;
	s27 =	sshra.s32 s10, $0x1F;
	s28 =	sshra.s32 s11, $0x1F  }
0x10: {  	s30 =	sshll.u32 s12, $0x7;
	s23 =	sadd.s32 s24, s23;
	s24 =	smov.u32 s10  }
0x11: {  	s26 =	sand.u32 s26, s12;
	s24 =	simm.s32 @!p1 $0x37F;
	p1 =	sgt.s32 s12, $0x7  }
0x12: {  	v5 =	vld [tilespmem:s21+$0xFFFFFFD0];
	[tilespmem:s22+$0x2040 ss:$0x81] =	vst.msk $0xffff, v4;
	s27 =	sand.u32 s27, s10;
	s28 =	sand.u32 s28, s11;
	s25 =	simm.s32 @!p1 $0x7  }
0x13: {  	v58 =	vld [tilespmem:s21+$0xFFFFFFE0];
	[tilespmem:s22+$0x2850 ss:$0x81] =	vst.msk $0xffff, v3;
	p1 =	sgt.s32 s11, $0x380;
	s25 =	ssub.s32 s25, s26;
	s26 =	smov.u32 s11  }
0x14: {  	v59 =	vld [tilespmem:s21+$0xFFFFFFF0];
	[tilespmem:s22+$0x3060 ss:$0x81] =	vst.msk $0xffff, v2;
	s24 =	ssub.s32 s24, s27;
	s27 =	sand.u32 $0x380, s11;
	s26 =	simm.s32 @!p1 $0x380  }
0x15: {  	v60 =	vld [tilespmem:s21+$0x0];
	[tilespmem:s22+$0x0 ss:$0x81] =	vst.msk $0xffff, v0;
	s31 =	sadd.s32 $0xFFFFFC81, s24;
	s26 =	ssub.s32 s26, s28;
	s28 =	sadd.s32 $0xFFFFFFF9, s25  }
0x16: {  	v61 =	vld [tilespmem:s21+$0x10];
	[tilespmem:s23+$0x3870 ss:$0x81] =	vst.msk $0xffff, v1;
	s22 =	ssub.s32 $0x8, s25;
	p1 =	sgt.s32 s28, $0x0;
	s29 =	sadd.s32 $0xFFFFFC80, s26  }
0x17: {  	v62 =	vld [tilespmem:s21+$0x20];
	[tilespmem:s23+$0x810 ss:$0x81] =	vst.msk $0xffff, v5;
	s25 =	ssub.s32 $0x400, s26;
	s22 =	simm.s32 @p1 $0x0;
	p1 =	sgt.s32 s29, $0x7F  }
0x18: {  	v63 =	vld [tilespmem:s21+$0xFFFFFFC0];
	s21 =	ssub.s32 $0x3FF, s24;
	[tilespmem:s23+$0x1020 ss:$0x81] =	vst.msk $0xffff, v58;
	s26 =	sand.u32 $0x380, s30;
	s25 =	simm.s32 @p1 $0x0  }
0x19: {  	[tilespmem:s23+$0x1830 ss:$0x81] =	vst.msk $0xffff, v59;
	s28 =	sshll.u32 s10, $0xA;
	p1 =	sgt.s32 s31, $0x7F;
	s22 =	smul.u32 s22, s25  }
0x1a: {  	[tilespmem:s23+$0x2040 ss:$0x81] =	vst.msk $0xffff, v60;
	s29 =	sand.u32 $0x7, s11;
	s25 =	sand.u32 $0x78, s11;
	s21 =	simm.s32 @p1 $0x0  }
0x1b: {  	[tilespmem:s23+$0x2850 ss:$0x81] =	vst.msk $0xffff, v61;
	s24 =	sor.u32 s25, s26;
	s25 =	sadd.s32 s3, s27;
	s21 =	smul.u32 s21, s22  }
0x1c: {  	[tilespmem:s23+$0x3060 ss:$0x81] =	vst.msk $0xffff, v62;
	s30 =	sshll.u32 s29, $0x12;
	s24 =	sshrl.u32 s24, $0x3;
	s22 =	sadd.s32 s28, s25  }
0x1d: {  	[tilespmem:s23+$0x0 ss:$0x81] =	vst.msk $0xffff, v63;
	s31 =	sor.u32 $0x80, s30;
	s22 =	sadd.s32 s24, s22;
	s21 =	sand.u32 $0x3FFFFFFF, s21  }
0x1e: {  	[hbm4b:s22+s31] =	stream.strided.scatter [tilespmem:s20], [sflag:$0x2], s21, s9, s31, $0x20;
	[tilespmem:$0x10100] =	vst v63  }
.LBB1_5:
0x1f: {  	p1 =	slt.u32 s16, $0x2;
	s21 =	smov.u32 s19  }
0x20: {  	p2 =	sgt.s32 @!p1 s18, $0x37F;
	s20 =	sshra.s32 @!p1 s18, $0x1F;
	p3 =	sgt.s32 @!p1 s19, $0x7  }
0x21: {  	s22 =	sshra.s32 @!p1 s19, $0x1F;
	p2 =	por !p2, p1;
	s20 =	sand.u32 @!p1 s20, s18  }
0x22: {  	p3 =	por !p3, p1;
	s19 =	sand.u32 @!p1 s22, s19;
	s22 =	sshra.s32 @!p1 s17, $0x1F  }
0x23: {  	s21 =	simm.s32 @p3 $0x7;
	p3 =	sgt.s32 @!p1 s17, $0x380;
	s18 =	simm.s32 @p2 $0x37F  }
0x24: {  	s19 =	ssub.s32 @!p1 s21, s19;
	p3 =	por !p3, p1;
	s21 =	smov.u32 s17  }
0x25: {  	s17 =	sand.u32 @!p1 s22, s17;
	s18 =	ssub.s32 @!p1 s18, s20;
	s21 =	simm.s32 @p3 $0x380  }
0x26: {  	s20 =	sadd.s32 @!p1 $0xFFFFFFF9, s19;
	s19 =	ssub.s32 @!p1 $0x8, s19;
	s17 =	ssub.s32 @!p1 s21, s17  }
0x27: {  	s21 =	sadd.s32 @!p1 $0xFFFFFC81, s18;
	p2 =	sgt.s32 @!p1 s20, $0x0;
	s20 =	sadd.s32 @!p1 $0xFFFFFC80, s17  }
0x28: {  	s18 =	ssub.s32 @!p1 $0x3FF, s18;
	p2 =	por !p2, p1;
	p3 =	sgt.s32 @!p1 s20, $0x7F  }
0x29: {  	s17 =	ssub.s32 @!p1 $0x400, s17;
	s19 =	simm.s32 @!p2 $0x0;
	p2 =	por !p3, p1  }
0x2a: {  	s20 =	sadd.s32 $0x80, s13;
	p3 =	sgt.s32 @!p1 s21, $0x7F;
	s17 =	simm.s32 @!p2 $0x0  }
0x2b: {  	s21 =	smov.u32 s14;
	p2 =	por !p3, p1;
	s17 =	smul.u32 @!p1 s19, s17  }
0x2c: {  	s18 =	simm.s32 @!p2 $0x0;
	p2 =	sgt.s32 s20, $0x3FE;
	s19 =	sadd.s32 $0x200, s14  }
0x2d: {  	s22 =	smov.u32 s15;
	s21 =	smov.u32 @p2 s19  }
0x2e: {  	s17 =	smul.u32 @!p1 s18, s17;
	p3 =	sgt.s32 s21, $0x3FF;
	s18 =	sadd.s32 $0x8, s15  }
0x2f: {  	p0 =	por !p0, !p0;
	s23 =	simm.s32 @!p1 $0x2;
	s22 =	smov.u32 @p3 s18  }
0x30: {  	s20 =	simm.s32 @p2 $0x0;
	s19 =	smov.u32 s12;
	p2 =	sgt.s32 s22, $0x7  }
0x31: {  	s12 =	smov.u32 s15;
	s22 =	smov.u32 @p2 s5;
	p2 =	sne.s32 s16, s8  }
.Ltmp1:
0x32: {  	s21 =	smov.u32 @p3 s2;
	s18 =	smov.u32 s10;
	(pc) =	sbr.rel @!p2 .LBB1_6-.Ltmp1, $4  }
0x33: {  	s10 =	smov.u32 s13;
	s13 =	smov.u32 s20;
	s17 =	sand.u32 @!p1 $0x3FFFFFFF, s17  }
0x34: {  	_ =	swait.ge @!p1 [sflag:s23], s17;
	s24 =	ssub.s32 @!p1 $0x0, s17;
	s17 =	smov.u32 s11  }
0x35: {  	s16 =	sadd.s32 $0x1, s16;
	s11 =	smov.u32 s14;
	[sflag:s23] =	ssyncset.done @!p1 $0x0  }
0x36: {  	s14 =	smov.u32 s21;
	s15 =	smov.u32 s22;
	[sflag:s23] =	ssyncadd.s32 @!p1 s24  }
.LBB1_1:
0x37: {  	p1 =	sge.u32 s16, s7  }
0x38: {  	s31 =	sadd.s32 $0xFFFFFFFF, s16;
	s20 =	sshll.u32 @!p1 s14, $0x7  }
0x39: {  	s21 =	sxor.u32 @!p1 $0xFFFFFFFF, s16;
	s22 =	sand.u32 @!p1 $0x78, s13;
	s23 =	sand.u32 @!p1 $0x380, s20  }
0x3a: {  	s21 =	sshll.u32 @!p1 s21, $0xE;
	s22 =	sor.u32 @!p1 s22, s23;
	s23 =	sshll.u32 @!p1 s15, $0x11  }
0x3b: {  	s20 =	sand.u32 @!p1 $0x1FC00, s20;
	s22 =	sshrl.u32 @!p1 s22, $0x3;
	s23 =	sadd.s32 @!p1 s4, s23  }
0x3c: {  	s20 =	sadd.s32 @!p1 s13, s20;
	s22 =	sadd.s32 @!p1 s22, s23;
	s23 =	sand.u32 @!p1 $0x7, s13  }
0x3d: {  	s21 =	sand.u32 @!p1 $0x4000, s21;
	s20 =	sand.u32 @!p1 $0x1FF80, s20;
	s23 =	sshll.u32 @!p1 s23, $0x12  }
0x3e: {  	s20 =	sadd.s32 @!p1 s20, s22;
	s22 =	sor.u32 @!p1 $0x400, s23;
	s23 =	simm.s32 @!p1 $0x2000  }
0x3f: {  	[tilespmem:s21], [sflag:$0x1] =	stream.strided.gather @!p1 [hbm4b:s20+s22], $0x4000, s23, s22, $0x38;
	[tilespmem:$0x10100] =	vst v63  }
0x40: {  	p1 =	sge.u32 s31, s7  }
.Ltmp2:
0x41: {  	_ = 	snop;
	(pc) =	sbr.rel @p1 .LBB1_5-.Ltmp2, $1  }
0x42: {  	_ =	sdelay $0x3  }
0x43: {  	s20 =	simm.s32 $0x1  }
0x44: {  	_ =	swait.ge [sflag:s6], $0x4000;
	s20 =	simm.s32 @!p0 $0x0  }
0x45: {  	[sflag:s6] =	ssyncset.done $0x0;
	s21 =	sshll.u32 s20, $0xE  }
0x46: {  	[sflag:s6] =	ssyncadd.s32 $0xFFFFC000;
	s21 =	sor.u32 $0x40, s21  }
0x47: {  	s20 =	smul.u32 $0x10200, s20;
	v0 =	vld [tilespmem:s21+$0x30]  }
0x48: {  	v1 =	vld [tilespmem:s21+$0xFFFFFFD0]  }
0x49: {  	s20 =	sshrl.u32 s20, $0x2;
	v5 =	vld [tilespmem:s21+$0xFFFFFFE0]  }
0x4a: {  	v6 =	vld [tilespmem:s21+$0xFFFFFFF0];
	s23 =	sor.u32 $0x8000, s20  }
0x4b: {  	s31 =	sand.u32 $0x1, s16;
	v4 =	vld [tilespmem:s21+$0x0];
	s22 =	sadd.s32 $0x0, s23  }
0x4c: {  	v3 =	vld [tilespmem:s21+$0x10];
	s20 =	smul.u32 $0x10200, s31;
	[tilespmem:s22+$0x3870 ss:$0x81] =	vst.msk $0xffff, v0  }
0x4d: {  	v2 =	vld [tilespmem:s21+$0x20];
	[tilespmem:s22+$0x810 ss:$0x81] =	vst.msk $0xffff, v1  }
0x4e: {  	s20 =	sshrl.u32 s20, $0x2;
	v0 =	vld [tilespmem:s21+$0xFFFFFFC0];
	[tilespmem:s22+$0x1020 ss:$0x81] =	vst.msk $0xffff, v5;
	s21 =	sadd.s32 $0x80, s21  }
0x4f: {  	s24 =	simm.s32 $0x4;
	s25 =	simm.s32 $0x8;
	s20 =	sor.u32 $0x8000, s20;
	[tilespmem:s22+$0x1830 ss:$0x81] =	vst.msk $0xffff, v6;
	v1 =	vld [tilespmem:s21+$0x30]  }
.LBB1_3:
0x50: {  	p1 =	sne.s32 s25, $0x1FC;
	v5 =	vld [tilespmem:s21+$0xFFFFFFD0];
	[tilespmem:s22+$0x2040 ss:$0x81] =	vst.msk $0xffff, v4  }
0x51: {  	v6 =	vld [tilespmem:s21+$0xFFFFFFE0];
	[tilespmem:s22+$0x2850 ss:$0x81] =	vst.msk $0xffff, v3  }
0x52: {  	s26 =	sshra.s32 s24, $0x2;
	s24 =	smov.u32 s25;
	v7 =	vld [tilespmem:s21+$0xFFFFFFF0];
	[tilespmem:s22+$0x3060 ss:$0x81] =	vst.msk $0xffff, v2  }
.Ltmp3:
0x53: {  	v4 =	vld [tilespmem:s21+$0x0];
	[tilespmem:s22+$0x0 ss:$0x81] =	vst.msk $0xffff, v0;
	s22 =	sadd.s32 s26, s23;
	(pc) =	sbr.rel @p1 .LBB1_3-.Ltmp3, $4  }
0x54: {  	v3 =	vld [tilespmem:s21+$0x10];
	[tilespmem:s22+$0x3870 ss:$0x81] =	vst.msk $0xffff, v1  }
0x55: {  	[tilespmem:s22+$0x810 ss:$0x81] =	vst.msk $0xffff, v5;
	v2 =	vld [tilespmem:s21+$0x20]  }
0x56: {  	v0 =	vld [tilespmem:s21+$0xFFFFFFC0];
	[tilespmem:s22+$0x1020 ss:$0x81] =	vst.msk $0xffff, v6;
	s21 =	sadd.s32 $0x80, s21  }
0x57: {  	s25 =	sadd.s32 $0x4, s25;
	v1 =	vld [tilespmem:s21+$0x30];
	[tilespmem:s22+$0x1830 ss:$0x81] =	vst.msk $0xffff, v7  }
.Ltmp4:
0x58: {  	_ = 	snop;
	(pc) =	sbr.rel .LBB1_4-.Ltmp4, $1  }
0x59: {  	_ =	sdelay $0x3  }
.LBB1_6:
0x5a: {  	_ =	sfence.sel $0x180000  }
0x5b: {  	s2 =	simm.s32 $0x1;
	[bflag:$0x0] =	sbarrier.arrive $0xFFFF  }
0x5c: {  	s31 =	simm.s32 $0x2;
	[sflag:s2] =	ssyncpa.u1 $0x1  }
0x5d: {  	[sflag:s31] =	ssyncpa.u1 $0x1  }
0x5e: {  	p0 =	sne.s32 s0, $0x0;
	_ =	strace $0x90000047  }
0x5f: {  	s0 =	sadd.s32 @!p0 $0x100000, s1;
	[bflag:$0x2] =	sbarrier.arrive $0xFFFF  }
0x60: {  	[sflag:s0] =	ssyncadd.tile.s32 @!p0 $0x1;
	_ =	shalt  }
.Lfunc_end1:
_tile_overlayer_lowered:
.L_overlay_start_2:
0x61: {  	(tag) =	ssettag $0x2  }
0x62: {  	s0 =	rddreg [dreg:$0x0];
	s2 =	stileid.u32  }
0x63: {  	s1 =	rddreg [dreg:$0x1];
	p0 =	sne.s32 s2, $0x0  }
0x64: {  	s3 =	rddreg [dreg:$0x2];
	[bflag:$0x3] =	sbarrier.arrive $0xFFFF;
	s2 =	simm.s32 @!p0 $0x1C01  }
0x65: {  	[timem:s3], [sflag:s2] =	dma.local @!p0 [hbm:s0], s1  }
0x66: {  	s0 =	simm.s32 @!p0 $0x1  }
0x67: {  	_ =	swait.ge @!p0 [sflag:s0], s1  }
0x68: {  	s1 =	ssub.s32 @!p0 $0x0, s1;
	[sflag:s0] =	ssyncset.done @!p0 $0x0  }
0x69: {  	[sflag:s0] =	ssyncadd.s32 @!p0 s1  }
0x6a: {  	[bflag:$0x3] =	sbarrier.arrive $0xFFFF  }
0x6b: {  	_ =	shalt  }

</sc_bundles>
